<compile_context>
chip_gen: v7x
topology: tpu7x:2x2x1
jax: 0.10.2.dev20260603
libtpu: 0.0.44.dev20260713+nightly
codegen_flags: <defaults>
</compile_context>

<pallas_src>
import functools

import jax
import jax.numpy as jnp
from jax import lax
from jax.experimental import pallas as pl
from jax.experimental.pallas import tpu as pltpu
from jax.experimental.pallas import tpu_sc as plsc

_NSEG = 1024
_TGLOB = 0.5
_NC = 2
_NS = 16
_NW = _NC * _NS
_L = 16
_BLK = 16384
_UNROLL = 8


def _pad_to(x, n, val):
    if x.shape[0] == n:
        return x
    return jnp.concatenate([x, jnp.full((n - x.shape[0],), val, x.dtype)])


def _sc_partials(coeffs, bfi, cb, ai, ab, g_z, t_z, n_basis_p, n_atoms_p):
    b_chunk = n_basis_p // _NW
    a_chunk = n_atoms_p // _NW
    n_full, rem = divmod(b_chunk, _BLK)
    assert rem % 128 == 0 and a_chunk % 128 == 0 and a_chunk <= _BLK

    mesh = plsc.VectorSubcoreMesh(core_axis_name="c", subcore_axis_name="s")

    @functools.partial(
        pl.kernel,
        mesh=mesh,
        compiler_params=pltpu.CompilerParams(needs_layout_passes=False),
        out_type=jax.ShapeDtypeStruct((_NW, _NSEG * _L), jnp.float32),
        scratch_types=[
            pltpu.VMEM((64,), jnp.float32),
            pltpu.VMEM((16,), jnp.float32),
            pltpu.VMEM((_NSEG * _L,), jnp.float32),
            pltpu.VMEM((_BLK,), jnp.float32),
            pltpu.VMEM((_BLK,), jnp.float32),
            pltpu.VMEM((_BLK,), jnp.int32),
            pltpu.VMEM((_BLK,), jnp.int32),
            pltpu.VMEM((_BLK,), jnp.int32),
            pltpu.VMEM((_BLK,), jnp.int32),
            pltpu.VMEM((a_chunk,), jnp.int32),
            pltpu.VMEM((a_chunk,), jnp.int32),
            pltpu.SemaphoreType.DMA,
            pltpu.SemaphoreType.DMA,
            pltpu.SemaphoreType.DMA,
        ],
    )
    def sc_kern(coeffs_hbm, bfi_hbm, cb_hbm, ai_hbm, ab_hbm, gz_hbm, tz_hbm,
                out_hbm, g_tab, t_tab, acc, c_0, c_1, b_0, b_1, s_0, s_1,
                ai_v, ab_v, sem0, sem1, sem_a):
        wid = lax.axis_index("s") * _NC + lax.axis_index("c")
        base = wid * b_chunk
        a_base = wid * a_chunk
        sems = (sem0, sem1)
        bufs = ((c_0, b_0, s_0), (c_1, b_1, s_1))
        lane = lax.iota(jnp.int32, _L)

        def start_block(blk, size):
            par = blk % 2
            cv, bv, sv = bufs[par]
            off = base + blk * _BLK
            return (
                pltpu.async_copy(coeffs_hbm.at[pl.ds(off, size)],
                                 cv.at[pl.ds(0, size)], sems[par]),
                pltpu.async_copy(bfi_hbm.at[pl.ds(off, size)],
                                 bv.at[pl.ds(0, size)], sems[par]),
                pltpu.async_copy(cb_hbm.at[pl.ds(off, size)],
                                 sv.at[pl.ds(0, size)], sems[par]),
            )

        n_blocks = n_full + (1 if rem else 0)
        sizes = [_BLK] * n_full + ([rem] if rem else [])

        d_ai = pltpu.async_copy(ai_hbm.at[pl.ds(a_base, a_chunk)], ai_v, sem_a)
        d_ab = pltpu.async_copy(ab_hbm.at[pl.ds(a_base, a_chunk)], ab_v, sem_a)
        d_gz = pltpu.async_copy(gz_hbm, g_tab, sem_a)
        d_tz = pltpu.async_copy(tz_hbm, t_tab, sem_a)
        pending = start_block(0, sizes[0]) if n_blocks else ()

        @plsc.parallel_loop(0, _NSEG * _L, _L, unroll=_UNROLL)
        def _zero(i):
            acc[pl.ds(i, _L)] = jnp.zeros((_L,), jnp.float32)

        def compute_block(par, nvec, unroll):
            cv, bv, sv = bufs[par]

            @plsc.parallel_loop(0, nvec * _L, _L, unroll=unroll)
            def _body(i):
                c = cv[pl.ds(i, _L)]
                b = bv[pl.ds(i, _L)]
                s = sv[pl.ds(i, _L)]
                g = plsc.load_gather(g_tab, [b])
                plsc.addupdate_scatter(acc, [s * _L + lane], g * c)

        for blk in range(n_blocks):
            for d in pending:
                d.wait()
            if blk + 1 < n_blocks:
                nxt = start_block(blk + 1, sizes[blk + 1])
            nvec = sizes[blk] // _L
            compute_block(blk % 2, nvec, _UNROLL if nvec % _UNROLL == 0 else 1)
            if blk + 1 < n_blocks:
                pending = nxt

        d_ai.wait(); d_ab.wait(); d_gz.wait(); d_tz.wait()

        @plsc.parallel_loop(0, a_chunk, _L,
                            unroll=_UNROLL if (a_chunk // _L) % _UNROLL == 0 else 1)
        def _atom(i):
            idx = ai_v[pl.ds(i, _L)]
            sgm = ab_v[pl.ds(i, _L)]
            t = plsc.load_gather(t_tab, [idx])
            plsc.addupdate_scatter(acc, [sgm * _L + lane], t)

        pltpu.sync_copy(acc, out_hbm.at[wid])

    return sc_kern(coeffs, bfi, cb, ai, ab, g_z, t_z)


def _combine_body(p_ref, o_ref):
    p = p_ref[...]
    o_ref[...] = jnp.sum(p, axis=(0, 2)).reshape(1, _NSEG) + _TGLOB


def kernel(atom_ind, coeffs, basis_function_ind, atom_batch, coeffs_batch,
           t_z, g_z):
    n_basis = coeffs.shape[0]
    n_atoms = atom_ind.shape[0]
    grain = _NW * 128
    n_basis_p = -(-n_basis // grain) * grain
    n_atoms_p = -(-n_atoms // grain) * grain

    coeffs_p = _pad_to(coeffs, n_basis_p, 0.0)
    bfi_p = _pad_to(basis_function_ind, n_basis_p, 0)
    cb_p = _pad_to(coeffs_batch, n_basis_p, 0)
    ai_p = _pad_to(atom_ind, n_atoms_p, t_z.shape[0])
    ab_p = _pad_to(atom_batch, n_atoms_p, 0)
    gz_p = _pad_to(g_z, 64, 0.0)
    tz_p = _pad_to(t_z, 16, 0.0)

    partials = _sc_partials(coeffs_p, bfi_p, cb_p, ai_p, ab_p, gz_p, tz_p,
                            n_basis_p, n_atoms_p)
    partials = partials.reshape(_NW, _NSEG, _L)

    out = pl.pallas_call(
        _combine_body,
        out_shape=jax.ShapeDtypeStruct((1, _NSEG), jnp.float32),
    )(partials)
    return out.reshape(_NSEG)

# --- scband reference (transcript-rebuilt; emitter-appended) ---
"""Pipeline reference for scband-atom-ref-59072980189793 (READ-ONLY COPY).

The authoritative reference and input builder live on the scoring server;
editing this copy changes nothing except your own understanding.
"""

import jax, jax.numpy as jnp
import numpy as np

NUM_SEGMENTS = 1024
T_GLOBAL = 0.5


def setup_inputs(seed: int = 0) -> dict:
    key = jax.random.key(seed)
    k1, k2, k3, k4, k5 = jax.random.split(key, 5)
    n_atoms = 100000
    n_basis = 1600000
    atom_ind = jax.random.randint(k1, (n_atoms,), 0, 8)
    coeffs = jax.random.normal(k2, (n_basis,), dtype=jnp.float32)
    basis_function_ind = jax.random.randint(k3, (n_basis,), 0, 64)
    atom_batch = jnp.sort(jax.random.randint(k4, (n_atoms,), 0, NUM_SEGMENTS))
    coeffs_batch = jnp.sort(jax.random.randint(k5, (n_basis,), 0, NUM_SEGMENTS))
    t_z = jnp.array([-37.5, -54.25, -75.0, -99.75, -0.5, -128.0, -161.25, -199.5], dtype=jnp.float32)
    g_z = jnp.arange(64, dtype=jnp.float32) * 0.25 - 8.0
    return {
        'atom_ind': atom_ind,
        'coeffs': coeffs,
        'basis_function_ind': basis_function_ind,
        'atom_batch': atom_batch,
        'coeffs_batch': coeffs_batch,
        't_z': t_z,
        'g_z': g_z,
    }


def reference(atom_ind, coeffs, basis_function_ind, atom_batch, coeffs_batch, t_z, g_z):
    # g_m = self.g_z[basis_function_ind]  (gather)
    g_m = jnp.take(g_z, basis_function_ind, axis=0)
    # g_times_p = global_add_pool(g_m * coeffs, coeffs_batch)  (segment sum)
    g_times_p = jax.ops.segment_sum(g_m * coeffs, coeffs_batch, num_segments=NUM_SEGMENTS)
    # t_m = global_add_pool(self.t_z[atom_ind], atom_batch)  (gather + segment sum)
    t_m = jax.ops.segment_sum(jnp.take(t_z, atom_ind, axis=0), atom_batch, num_segments=NUM_SEGMENTS)
    return g_times_p + t_m + T_GLOBAL

if __name__ == "__main__":
    import jax
    _d = setup_inputs()
    print(jax.jit(kernel)(*tuple(_d.values())))

</pallas_src>

<mosaic_0001>
#map = affine_map<(d0, d1) -> (0)>
#map1 = affine_map<(d0, d1) -> (0, 0)>
module attributes {stable_mosaic.version = 14 : i64} {
  func.func @sc_kern(%arg0: i32, %arg1: i32, %arg2: memref<1601536xf32, #tpu.memory_space<hbm>>, %arg3: memref<1601536xi32, #tpu.memory_space<hbm>>, %arg4: memref<1601536xi32, #tpu.memory_space<hbm>>, %arg5: memref<102400xi32, #tpu.memory_space<hbm>>, %arg6: memref<102400xi32, #tpu.memory_space<hbm>>, %arg7: memref<64xf32, #tpu.memory_space<hbm>>, %arg8: memref<16xf32, #tpu.memory_space<hbm>>, %arg9: memref<32x16384xf32, #tpu.memory_space<hbm>>, %arg10: memref<64xf32, #tpu.memory_space<vmem>>, %arg11: memref<16xf32, #tpu.memory_space<vmem>>, %arg12: memref<16384xf32, #tpu.memory_space<vmem>>, %arg13: memref<16384xf32, #tpu.memory_space<vmem>>, %arg14: memref<16384xf32, #tpu.memory_space<vmem>>, %arg15: memref<16384xi32, #tpu.memory_space<vmem>>, %arg16: memref<16384xi32, #tpu.memory_space<vmem>>, %arg17: memref<16384xi32, #tpu.memory_space<vmem>>, %arg18: memref<16384xi32, #tpu.memory_space<vmem>>, %arg19: memref<3200xi32, #tpu.memory_space<vmem>>, %arg20: memref<3200xi32, #tpu.memory_space<vmem>>, %arg21: memref<!tpu.dma_semaphore, #tpu.memory_space<semaphore_mem>>, %arg22: memref<!tpu.dma_semaphore, #tpu.memory_space<semaphore_mem>>, %arg23: memref<!tpu.dma_semaphore, #tpu.memory_space<semaphore_mem>>) attributes {dimension_semantics = [#tpu.dimension_semantics<core_parallel>, #tpu.dimension_semantics<subcore_parallel>], iteration_bounds = array<i64: 2, 16>, scalar_prefetch = 0 : i64, scratch_operands = 14 : i64, tpu.core_type = #tpu.core_type<sc_vector_subcore>, window_params = [{transform_indices = #map}, {transform_indices = #map}, {transform_indices = #map}, {transform_indices = #map}, {transform_indices = #map}, {transform_indices = #map}, {transform_indices = #map}, {transform_indices = #map1}]} {
    %mul3A = arith.constant 2 : i32
    %mul3A_0 = arith.muli %arg1, %mul3A : i32
    %add3A = arith.addi %mul3A_0, %arg0 : i32
    %mul3A_1 = arith.constant 50048 : i32
    %mul3A_2 = arith.muli %add3A, %mul3A_1 : i32
    %mul3A_3 = arith.constant 3200 : i32
    %mul3A_4 = arith.muli %add3A, %mul3A_3 : i32
    %iota3A = tpu.iota {dimensions = array<i32: 0>} : vector<16xi32>
    %dma_start3A = tpu.memref_slice %arg5[%mul3A_4] : memref<102400xi32, #tpu.memory_space<hbm>> -> memref<3200xi32, #tpu.memory_space<hbm>>
    %dma_start3A_5 = tpu.memref_slice %arg5[%mul3A_4] : memref<102400xi32, #tpu.memory_space<hbm>> -> memref<3200xi32, #tpu.memory_space<hbm>>
    tpu.enqueue_dma source(%dma_start3A_5 : memref<3200xi32, #tpu.memory_space<hbm>>) target(%arg19 : memref<3200xi32, #tpu.memory_space<vmem>>) target_semaphore(%arg23 : memref<!tpu.dma_semaphore, #tpu.memory_space<semaphore_mem>>)
    %dma_start3A_6 = tpu.memref_slice %arg6[%mul3A_4] : memref<102400xi32, #tpu.memory_space<hbm>> -> memref<3200xi32, #tpu.memory_space<hbm>>
    %dma_start3A_7 = tpu.memref_slice %arg6[%mul3A_4] : memref<102400xi32, #tpu.memory_space<hbm>> -> memref<3200xi32, #tpu.memory_space<hbm>>
    tpu.enqueue_dma source(%dma_start3A_7 : memref<3200xi32, #tpu.memory_space<hbm>>) target(%arg20 : memref<3200xi32, #tpu.memory_space<vmem>>) target_semaphore(%arg23 : memref<!tpu.dma_semaphore, #tpu.memory_space<semaphore_mem>>)
    tpu.enqueue_dma source(%arg7 : memref<64xf32, #tpu.memory_space<hbm>>) target(%arg10 : memref<64xf32, #tpu.memory_space<vmem>>) target_semaphore(%arg23 : memref<!tpu.dma_semaphore, #tpu.memory_space<semaphore_mem>>)
    tpu.enqueue_dma source(%arg8 : memref<16xf32, #tpu.memory_space<hbm>>) target(%arg11 : memref<16xf32, #tpu.memory_space<vmem>>) target_semaphore(%arg23 : memref<!tpu.dma_semaphore, #tpu.memory_space<semaphore_mem>>)
    %add3A_8 = arith.constant 0 : i32
    %add3A_9 = arith.addi %mul3A_2, %add3A_8 : i32
    %dma_start3A_10 = arith.constant 0 : i32
    %dma_start3A_11 = tpu.memref_slice %arg13[%dma_start3A_10] : memref<16384xf32, #tpu.memory_space<vmem>> -> memref<16384xf32, #tpu.memory_space<vmem>>
    %dma_start3A_12 = tpu.memref_slice %arg2[%add3A_9] : memref<1601536xf32, #tpu.memory_space<hbm>> -> memref<16384xf32, #tpu.memory_space<hbm>>
    %dma_start3A_13 = arith.constant 0 : i32
    %dma_start3A_14 = tpu.memref_slice %arg13[%dma_start3A_13] : memref<16384xf32, #tpu.memory_space<vmem>> -> memref<16384xf32, #tpu.memory_space<vmem>>
    %dma_start3A_15 = tpu.memref_slice %arg2[%add3A_9] : memref<1601536xf32, #tpu.memory_space<hbm>> -> memref<16384xf32, #tpu.memory_space<hbm>>
    tpu.enqueue_dma source(%dma_start3A_15 : memref<16384xf32, #tpu.memory_space<hbm>>) target(%dma_start3A_14 : memref<16384xf32, #tpu.memory_space<vmem>>) target_semaphore(%arg21 : memref<!tpu.dma_semaphore, #tpu.memory_space<semaphore_mem>>)
    %dma_start3A_16 = arith.constant 0 : i32
    %dma_start3A_17 = tpu.memref_slice %arg15[%dma_start3A_16] : memref<16384xi32, #tpu.memory_space<vmem>> -> memref<16384xi32, #tpu.memory_space<vmem>>
    %dma_start3A_18 = tpu.memref_slice %arg3[%add3A_9] : memref<1601536xi32, #tpu.memory_space<hbm>> -> memref<16384xi32, #tpu.memory_space<hbm>>
    %dma_start3A_19 = arith.constant 0 : i32
    %dma_start3A_20 = tpu.memref_slice %arg15[%dma_start3A_19] : memref<16384xi32, #tpu.memory_space<vmem>> -> memref<16384xi32, #tpu.memory_space<vmem>>
    %dma_start3A_21 = tpu.memref_slice %arg3[%add3A_9] : memref<1601536xi32, #tpu.memory_space<hbm>> -> memref<16384xi32, #tpu.memory_space<hbm>>
    tpu.enqueue_dma source(%dma_start3A_21 : memref<16384xi32, #tpu.memory_space<hbm>>) target(%dma_start3A_20 : memref<16384xi32, #tpu.memory_space<vmem>>) target_semaphore(%arg21 : memref<!tpu.dma_semaphore, #tpu.memory_space<semaphore_mem>>)
    %dma_start3A_22 = arith.constant 0 : i32
    %dma_start3A_23 = tpu.memref_slice %arg17[%dma_start3A_22] : memref<16384xi32, #tpu.memory_space<vmem>> -> memref<16384xi32, #tpu.memory_space<vmem>>
    %dma_start3A_24 = tpu.memref_slice %arg4[%add3A_9] : memref<1601536xi32, #tpu.memory_space<hbm>> -> memref<16384xi32, #tpu.memory_space<hbm>>
    %dma_start3A_25 = arith.constant 0 : i32
    %dma_start3A_26 = tpu.memref_slice %arg17[%dma_start3A_25] : memref<16384xi32, #tpu.memory_space<vmem>> -> memref<16384xi32, #tpu.memory_space<vmem>>
    %dma_start3A_27 = tpu.memref_slice %arg4[%add3A_9] : memref<1601536xi32, #tpu.memory_space<hbm>> -> memref<16384xi32, #tpu.memory_space<hbm>>
    tpu.enqueue_dma source(%dma_start3A_27 : memref<16384xi32, #tpu.memory_space<hbm>>) target(%dma_start3A_26 : memref<16384xi32, #tpu.memory_space<vmem>>) target_semaphore(%arg21 : memref<!tpu.dma_semaphore, #tpu.memory_space<semaphore_mem>>)
    %parallel_loop3A = arith.constant 0 : i32
    %parallel_loop3A_28 = arith.constant 16384 : i32
    %parallel_loop3A_29 = arith.constant 16 : i32
    scf.for %parallel_loop3A_180 = %parallel_loop3A to %parallel_loop3A_28 step %parallel_loop3A_29  : i32 {
      %parallel_loop3A_181 = arith.constant 0.000000e+00 : f32
      %parallel_loop3A_182 = vector.broadcast %parallel_loop3A_181 : f32 to vector<16xf32>
      %parallel_loop3A_183 = arith.index_cast %parallel_loop3A_180 : i32 to index
      %parallel_loop3A_184 = tpu.vector_load %arg12[%parallel_loop3A_183] {strides = array<i32>} : memref<16384xf32, #tpu.memory_space<vmem>>, vector<16xf32>,
      tpu.vector_store %arg12[%parallel_loop3A_183], %parallel_loop3A_182 {strides = array<i32>} : memref<16384xf32, #tpu.memory_space<vmem>>, vector<16xf32>,
    } {sc.loop_unroll_factor = 8 : i64, sc.parallel_access}
    %dma_wait3A = arith.constant 0 : i32
    %dma_wait3A_30 = tpu.memref_slice %arg13[%dma_wait3A] : memref<16384xf32, #tpu.memory_space<vmem>> -> memref<16384xf32, #tpu.memory_space<vmem>>
    %dma_wait3A_31 = tpu.memref_slice %arg2[%add3A_9] : memref<1601536xf32, #tpu.memory_space<hbm>> -> memref<16384xf32, #tpu.memory_space<hbm>>
    %dma_wait3A_32 = arith.constant 0 : i32
    %dma_wait3A_33 = tpu.memref_slice %arg13[%dma_wait3A_32] : memref<16384xf32, #tpu.memory_space<vmem>> -> memref<16384xf32, #tpu.memory_space<vmem>>
    %dma_wait3A_34 = tpu.memref_slice %arg2[%add3A_9] : memref<1601536xf32, #tpu.memory_space<hbm>> -> memref<16384xf32, #tpu.memory_space<hbm>>
    tpu.wait_dma2 semaphore(%arg21 : memref<!tpu.dma_semaphore, #tpu.memory_space<semaphore_mem>>) src(%dma_wait3A_34 : memref<16384xf32, #tpu.memory_space<hbm>>) dst(%dma_wait3A_33 : memref<16384xf32, #tpu.memory_space<vmem>>)
    %dma_wait3A_35 = arith.constant 0 : i32
    %dma_wait3A_36 = tpu.memref_slice %arg15[%dma_wait3A_35] : memref<16384xi32, #tpu.memory_space<vmem>> -> memref<16384xi32, #tpu.memory_space<vmem>>
    %dma_wait3A_37 = tpu.memref_slice %arg3[%add3A_9] : memref<1601536xi32, #tpu.memory_space<hbm>> -> memref<16384xi32, #tpu.memory_space<hbm>>
    %dma_wait3A_38 = arith.constant 0 : i32
    %dma_wait3A_39 = tpu.memref_slice %arg15[%dma_wait3A_38] : memref<16384xi32, #tpu.memory_space<vmem>> -> memref<16384xi32, #tpu.memory_space<vmem>>
    %dma_wait3A_40 = tpu.memref_slice %arg3[%add3A_9] : memref<1601536xi32, #tpu.memory_space<hbm>> -> memref<16384xi32, #tpu.memory_space<hbm>>
    tpu.wait_dma2 semaphore(%arg21 : memref<!tpu.dma_semaphore, #tpu.memory_space<semaphore_mem>>) src(%dma_wait3A_40 : memref<16384xi32, #tpu.memory_space<hbm>>) dst(%dma_wait3A_39 : memref<16384xi32, #tpu.memory_space<vmem>>)
    %dma_wait3A_41 = arith.constant 0 : i32
    %dma_wait3A_42 = tpu.memref_slice %arg17[%dma_wait3A_41] : memref<16384xi32, #tpu.memory_space<vmem>> -> memref<16384xi32, #tpu.memory_space<vmem>>
    %dma_wait3A_43 = tpu.memref_slice %arg4[%add3A_9] : memref<1601536xi32, #tpu.memory_space<hbm>> -> memref<16384xi32, #tpu.memory_space<hbm>>
    %dma_wait3A_44 = arith.constant 0 : i32
    %dma_wait3A_45 = tpu.memref_slice %arg17[%dma_wait3A_44] : memref<16384xi32, #tpu.memory_space<vmem>> -> memref<16384xi32, #tpu.memory_space<vmem>>
    %dma_wait3A_46 = tpu.memref_slice %arg4[%add3A_9] : memref<1601536xi32, #tpu.memory_space<hbm>> -> memref<16384xi32, #tpu.memory_space<hbm>>
    tpu.wait_dma2 semaphore(%arg21 : memref<!tpu.dma_semaphore, #tpu.memory_space<semaphore_mem>>) src(%dma_wait3A_46 : memref<16384xi32, #tpu.memory_space<hbm>>) dst(%dma_wait3A_45 : memref<16384xi32, #tpu.memory_space<vmem>>)
    %add3A_47 = arith.constant 16384 : i32
    %add3A_48 = arith.addi %mul3A_2, %add3A_47 : i32
    %dma_start3A_49 = arith.constant 0 : i32
    %dma_start3A_50 = tpu.memref_slice %arg14[%dma_start3A_49] : memref<16384xf32, #tpu.memory_space<vmem>> -> memref<16384xf32, #tpu.memory_space<vmem>>
    %dma_start3A_51 = tpu.memref_slice %arg2[%add3A_48] : memref<1601536xf32, #tpu.memory_space<hbm>> -> memref<16384xf32, #tpu.memory_space<hbm>>
    %dma_start3A_52 = arith.constant 0 : i32
    %dma_start3A_53 = tpu.memref_slice %arg14[%dma_start3A_52] : memref<16384xf32, #tpu.memory_space<vmem>> -> memref<16384xf32, #tpu.memory_space<vmem>>
    %dma_start3A_54 = tpu.memref_slice %arg2[%add3A_48] : memref<1601536xf32, #tpu.memory_space<hbm>> -> memref<16384xf32, #tpu.memory_space<hbm>>
    tpu.enqueue_dma source(%dma_start3A_54 : memref<16384xf32, #tpu.memory_space<hbm>>) target(%dma_start3A_53 : memref<16384xf32, #tpu.memory_space<vmem>>) target_semaphore(%arg22 : memref<!tpu.dma_semaphore, #tpu.memory_space<semaphore_mem>>)
    %dma_start3A_55 = arith.constant 0 : i32
    %dma_start3A_56 = tpu.memref_slice %arg16[%dma_start3A_55] : memref<16384xi32, #tpu.memory_space<vmem>> -> memref<16384xi32, #tpu.memory_space<vmem>>
    %dma_start3A_57 = tpu.memref_slice %arg3[%add3A_48] : memref<1601536xi32, #tpu.memory_space<hbm>> -> memref<16384xi32, #tpu.memory_space<hbm>>
    %dma_start3A_58 = arith.constant 0 : i32
    %dma_start3A_59 = tpu.memref_slice %arg16[%dma_start3A_58] : memref<16384xi32, #tpu.memory_space<vmem>> -> memref<16384xi32, #tpu.memory_space<vmem>>
    %dma_start3A_60 = tpu.memref_slice %arg3[%add3A_48] : memref<1601536xi32, #tpu.memory_space<hbm>> -> memref<16384xi32, #tpu.memory_space<hbm>>
    tpu.enqueue_dma source(%dma_start3A_60 : memref<16384xi32, #tpu.memory_space<hbm>>) target(%dma_start3A_59 : memref<16384xi32, #tpu.memory_space<vmem>>) target_semaphore(%arg22 : memref<!tpu.dma_semaphore, #tpu.memory_space<semaphore_mem>>)
    %dma_start3A_61 = arith.constant 0 : i32
    %dma_start3A_62 = tpu.memref_slice %arg18[%dma_start3A_61] : memref<16384xi32, #tpu.memory_space<vmem>> -> memref<16384xi32, #tpu.memory_space<vmem>>
    %dma_start3A_63 = tpu.memref_slice %arg4[%add3A_48] : memref<1601536xi32, #tpu.memory_space<hbm>> -> memref<16384xi32, #tpu.memory_space<hbm>>
    %dma_start3A_64 = arith.constant 0 : i32
    %dma_start3A_65 = tpu.memref_slice %arg18[%dma_start3A_64] : memref<16384xi32, #tpu.memory_space<vmem>> -> memref<16384xi32, #tpu.memory_space<vmem>>
    %dma_start3A_66 = tpu.memref_slice %arg4[%add3A_48] : memref<1601536xi32, #tpu.memory_space<hbm>> -> memref<16384xi32, #tpu.memory_space<hbm>>
    tpu.enqueue_dma source(%dma_start3A_66 : memref<16384xi32, #tpu.memory_space<hbm>>) target(%dma_start3A_65 : memref<16384xi32, #tpu.memory_space<vmem>>) target_semaphore(%arg22 : memref<!tpu.dma_semaphore, #tpu.memory_space<semaphore_mem>>)
    %parallel_loop3A_67 = arith.constant 0 : i32
    %parallel_loop3A_68 = arith.constant 16384 : i32
    %parallel_loop3A_69 = arith.constant 16 : i32
    scf.for %parallel_loop3A_180 = %parallel_loop3A_67 to %parallel_loop3A_68 step %parallel_loop3A_69  : i32 {
      %parallel_loop3A_181 = arith.index_cast %parallel_loop3A_180 : i32 to index
      %parallel_loop3A_182 = tpu.vector_load %arg13[%parallel_loop3A_181] {strides = array<i32>} : memref<16384xf32, #tpu.memory_space<vmem>>, vector<16xf32>,
      %parallel_loop3A_183 = arith.index_cast %parallel_loop3A_180 : i32 to index
      %parallel_loop3A_184 = tpu.vector_load %arg15[%parallel_loop3A_183] {strides = array<i32>} : memref<16384xi32, #tpu.memory_space<vmem>>, vector<16xi32>,
      %parallel_loop3A_185 = arith.index_cast %parallel_loop3A_180 : i32 to index
      %parallel_loop3A_186 = tpu.vector_load %arg17[%parallel_loop3A_185] {strides = array<i32>} : memref<16384xi32, #tpu.memory_space<vmem>>, vector<16xi32>,
      %parallel_loop3A_187 = tpu.vector_load_idx %arg10[%parallel_loop3A_184] : memref<64xf32, #tpu.memory_space<vmem>>[vector<16xi32>], vector<16xf32>,
      %parallel_loop3A_188 = arith.constant 16 : i32
      %parallel_loop3A_189 = vector.broadcast %parallel_loop3A_188 : i32 to vector<16xi32>
      %parallel_loop3A_190 = arith.muli %parallel_loop3A_186, %parallel_loop3A_189 : vector<16xi32>
      %parallel_loop3A_191 = arith.addi %parallel_loop3A_190, %iota3A : vector<16xi32>
      %parallel_loop3A_192 = arith.mulf %parallel_loop3A_187, %parallel_loop3A_182 : vector<16xf32>
      tpu.vector_store_idx %arg12[%parallel_loop3A_191], %parallel_loop3A_192 {add = true} : memref<16384xf32, #tpu.memory_space<vmem>>[vector<16xi32>], vector<16xf32>,
    } {sc.loop_unroll_factor = 8 : i64, sc.parallel_access}
    %dma_wait3A_70 = arith.constant 0 : i32
    %dma_wait3A_71 = tpu.memref_slice %arg14[%dma_wait3A_70] : memref<16384xf32, #tpu.memory_space<vmem>> -> memref<16384xf32, #tpu.memory_space<vmem>>
    %dma_wait3A_72 = tpu.memref_slice %arg2[%add3A_48] : memref<1601536xf32, #tpu.memory_space<hbm>> -> memref<16384xf32, #tpu.memory_space<hbm>>
    %dma_wait3A_73 = arith.constant 0 : i32
    %dma_wait3A_74 = tpu.memref_slice %arg14[%dma_wait3A_73] : memref<16384xf32, #tpu.memory_space<vmem>> -> memref<16384xf32, #tpu.memory_space<vmem>>
    %dma_wait3A_75 = tpu.memref_slice %arg2[%add3A_48] : memref<1601536xf32, #tpu.memory_space<hbm>> -> memref<16384xf32, #tpu.memory_space<hbm>>
    tpu.wait_dma2 semaphore(%arg22 : memref<!tpu.dma_semaphore, #tpu.memory_space<semaphore_mem>>) src(%dma_wait3A_75 : memref<16384xf32, #tpu.memory_space<hbm>>) dst(%dma_wait3A_74 : memref<16384xf32, #tpu.memory_space<vmem>>)
    %dma_wait3A_76 = arith.constant 0 : i32
    %dma_wait3A_77 = tpu.memref_slice %arg16[%dma_wait3A_76] : memref<16384xi32, #tpu.memory_space<vmem>> -> memref<16384xi32, #tpu.memory_space<vmem>>
    %dma_wait3A_78 = tpu.memref_slice %arg3[%add3A_48] : memref<1601536xi32, #tpu.memory_space<hbm>> -> memref<16384xi32, #tpu.memory_space<hbm>>
    %dma_wait3A_79 = arith.constant 0 : i32
    %dma_wait3A_80 = tpu.memref_slice %arg16[%dma_wait3A_79] : memref<16384xi32, #tpu.memory_space<vmem>> -> memref<16384xi32, #tpu.memory_space<vmem>>
    %dma_wait3A_81 = tpu.memref_slice %arg3[%add3A_48] : memref<1601536xi32, #tpu.memory_space<hbm>> -> memref<16384xi32, #tpu.memory_space<hbm>>
    tpu.wait_dma2 semaphore(%arg22 : memref<!tpu.dma_semaphore, #tpu.memory_space<semaphore_mem>>) src(%dma_wait3A_81 : memref<16384xi32, #tpu.memory_space<hbm>>) dst(%dma_wait3A_80 : memref<16384xi32, #tpu.memory_space<vmem>>)
    %dma_wait3A_82 = arith.constant 0 : i32
    %dma_wait3A_83 = tpu.memref_slice %arg18[%dma_wait3A_82] : memref<16384xi32, #tpu.memory_space<vmem>> -> memref<16384xi32, #tpu.memory_space<vmem>>
    %dma_wait3A_84 = tpu.memref_slice %arg4[%add3A_48] : memref<1601536xi32, #tpu.memory_space<hbm>> -> memref<16384xi32, #tpu.memory_space<hbm>>
    %dma_wait3A_85 = arith.constant 0 : i32
    %dma_wait3A_86 = tpu.memref_slice %arg18[%dma_wait3A_85] : memref<16384xi32, #tpu.memory_space<vmem>> -> memref<16384xi32, #tpu.memory_space<vmem>>
    %dma_wait3A_87 = tpu.memref_slice %arg4[%add3A_48] : memref<1601536xi32, #tpu.memory_space<hbm>> -> memref<16384xi32, #tpu.memory_space<hbm>>
    tpu.wait_dma2 semaphore(%arg22 : memref<!tpu.dma_semaphore, #tpu.memory_space<semaphore_mem>>) src(%dma_wait3A_87 : memref<16384xi32, #tpu.memory_space<hbm>>) dst(%dma_wait3A_86 : memref<16384xi32, #tpu.memory_space<vmem>>)
    %add3A_88 = arith.constant 32768 : i32
    %add3A_89 = arith.addi %mul3A_2, %add3A_88 : i32
    %dma_start3A_90 = arith.constant 0 : i32
    %dma_start3A_91 = tpu.memref_slice %arg13[%dma_start3A_90] : memref<16384xf32, #tpu.memory_space<vmem>> -> memref<16384xf32, #tpu.memory_space<vmem>>
    %dma_start3A_92 = tpu.memref_slice %arg2[%add3A_89] : memref<1601536xf32, #tpu.memory_space<hbm>> -> memref<16384xf32, #tpu.memory_space<hbm>>
    %dma_start3A_93 = arith.constant 0 : i32
    %dma_start3A_94 = tpu.memref_slice %arg13[%dma_start3A_93] : memref<16384xf32, #tpu.memory_space<vmem>> -> memref<16384xf32, #tpu.memory_space<vmem>>
    %dma_start3A_95 = tpu.memref_slice %arg2[%add3A_89] : memref<1601536xf32, #tpu.memory_space<hbm>> -> memref<16384xf32, #tpu.memory_space<hbm>>
    tpu.enqueue_dma source(%dma_start3A_95 : memref<16384xf32, #tpu.memory_space<hbm>>) target(%dma_start3A_94 : memref<16384xf32, #tpu.memory_space<vmem>>) target_semaphore(%arg21 : memref<!tpu.dma_semaphore, #tpu.memory_space<semaphore_mem>>)
    %dma_start3A_96 = arith.constant 0 : i32
    %dma_start3A_97 = tpu.memref_slice %arg15[%dma_start3A_96] : memref<16384xi32, #tpu.memory_space<vmem>> -> memref<16384xi32, #tpu.memory_space<vmem>>
    %dma_start3A_98 = tpu.memref_slice %arg3[%add3A_89] : memref<1601536xi32, #tpu.memory_space<hbm>> -> memref<16384xi32, #tpu.memory_space<hbm>>
    %dma_start3A_99 = arith.constant 0 : i32
    %dma_start3A_100 = tpu.memref_slice %arg15[%dma_start3A_99] : memref<16384xi32, #tpu.memory_space<vmem>> -> memref<16384xi32, #tpu.memory_space<vmem>>
    %dma_start3A_101 = tpu.memref_slice %arg3[%add3A_89] : memref<1601536xi32, #tpu.memory_space<hbm>> -> memref<16384xi32, #tpu.memory_space<hbm>>
    tpu.enqueue_dma source(%dma_start3A_101 : memref<16384xi32, #tpu.memory_space<hbm>>) target(%dma_start3A_100 : memref<16384xi32, #tpu.memory_space<vmem>>) target_semaphore(%arg21 : memref<!tpu.dma_semaphore, #tpu.memory_space<semaphore_mem>>)
    %dma_start3A_102 = arith.constant 0 : i32
    %dma_start3A_103 = tpu.memref_slice %arg17[%dma_start3A_102] : memref<16384xi32, #tpu.memory_space<vmem>> -> memref<16384xi32, #tpu.memory_space<vmem>>
    %dma_start3A_104 = tpu.memref_slice %arg4[%add3A_89] : memref<1601536xi32, #tpu.memory_space<hbm>> -> memref<16384xi32, #tpu.memory_space<hbm>>
    %dma_start3A_105 = arith.constant 0 : i32
    %dma_start3A_106 = tpu.memref_slice %arg17[%dma_start3A_105] : memref<16384xi32, #tpu.memory_space<vmem>> -> memref<16384xi32, #tpu.memory_space<vmem>>
    %dma_start3A_107 = tpu.memref_slice %arg4[%add3A_89] : memref<1601536xi32, #tpu.memory_space<hbm>> -> memref<16384xi32, #tpu.memory_space<hbm>>
    tpu.enqueue_dma source(%dma_start3A_107 : memref<16384xi32, #tpu.memory_space<hbm>>) target(%dma_start3A_106 : memref<16384xi32, #tpu.memory_space<vmem>>) target_semaphore(%arg21 : memref<!tpu.dma_semaphore, #tpu.memory_space<semaphore_mem>>)
    %parallel_loop3A_108 = arith.constant 0 : i32
    %parallel_loop3A_109 = arith.constant 16384 : i32
    %parallel_loop3A_110 = arith.constant 16 : i32
    scf.for %parallel_loop3A_180 = %parallel_loop3A_108 to %parallel_loop3A_109 step %parallel_loop3A_110  : i32 {
      %parallel_loop3A_181 = arith.index_cast %parallel_loop3A_180 : i32 to index
      %parallel_loop3A_182 = tpu.vector_load %arg14[%parallel_loop3A_181] {strides = array<i32>} : memref<16384xf32, #tpu.memory_space<vmem>>, vector<16xf32>,
      %parallel_loop3A_183 = arith.index_cast %parallel_loop3A_180 : i32 to index
      %parallel_loop3A_184 = tpu.vector_load %arg16[%parallel_loop3A_183] {strides = array<i32>} : memref<16384xi32, #tpu.memory_space<vmem>>, vector<16xi32>,
      %parallel_loop3A_185 = arith.index_cast %parallel_loop3A_180 : i32 to index
      %parallel_loop3A_186 = tpu.vector_load %arg18[%parallel_loop3A_185] {strides = array<i32>} : memref<16384xi32, #tpu.memory_space<vmem>>, vector<16xi32>,
      %parallel_loop3A_187 = tpu.vector_load_idx %arg10[%parallel_loop3A_184] : memref<64xf32, #tpu.memory_space<vmem>>[vector<16xi32>], vector<16xf32>,
      %parallel_loop3A_188 = arith.constant 16 : i32
      %parallel_loop3A_189 = vector.broadcast %parallel_loop3A_188 : i32 to vector<16xi32>
      %parallel_loop3A_190 = arith.muli %parallel_loop3A_186, %parallel_loop3A_189 : vector<16xi32>
      %parallel_loop3A_191 = arith.addi %parallel_loop3A_190, %iota3A : vector<16xi32>
      %parallel_loop3A_192 = arith.mulf %parallel_loop3A_187, %parallel_loop3A_182 : vector<16xf32>
      tpu.vector_store_idx %arg12[%parallel_loop3A_191], %parallel_loop3A_192 {add = true} : memref<16384xf32, #tpu.memory_space<vmem>>[vector<16xi32>], vector<16xf32>,
    } {sc.loop_unroll_factor = 8 : i64, sc.parallel_access}
    %dma_wait3A_111 = arith.constant 0 : i32
    %dma_wait3A_112 = tpu.memref_slice %arg13[%dma_wait3A_111] : memref<16384xf32, #tpu.memory_space<vmem>> -> memref<16384xf32, #tpu.memory_space<vmem>>
    %dma_wait3A_113 = tpu.memref_slice %arg2[%add3A_89] : memref<1601536xf32, #tpu.memory_space<hbm>> -> memref<16384xf32, #tpu.memory_space<hbm>>
    %dma_wait3A_114 = arith.constant 0 : i32
    %dma_wait3A_115 = tpu.memref_slice %arg13[%dma_wait3A_114] : memref<16384xf32, #tpu.memory_space<vmem>> -> memref<16384xf32, #tpu.memory_space<vmem>>
    %dma_wait3A_116 = tpu.memref_slice %arg2[%add3A_89] : memref<1601536xf32, #tpu.memory_space<hbm>> -> memref<16384xf32, #tpu.memory_space<hbm>>
    tpu.wait_dma2 semaphore(%arg21 : memref<!tpu.dma_semaphore, #tpu.memory_space<semaphore_mem>>) src(%dma_wait3A_116 : memref<16384xf32, #tpu.memory_space<hbm>>) dst(%dma_wait3A_115 : memref<16384xf32, #tpu.memory_space<vmem>>)
    %dma_wait3A_117 = arith.constant 0 : i32
    %dma_wait3A_118 = tpu.memref_slice %arg15[%dma_wait3A_117] : memref<16384xi32, #tpu.memory_space<vmem>> -> memref<16384xi32, #tpu.memory_space<vmem>>
    %dma_wait3A_119 = tpu.memref_slice %arg3[%add3A_89] : memref<1601536xi32, #tpu.memory_space<hbm>> -> memref<16384xi32, #tpu.memory_space<hbm>>
    %dma_wait3A_120 = arith.constant 0 : i32
    %dma_wait3A_121 = tpu.memref_slice %arg15[%dma_wait3A_120] : memref<16384xi32, #tpu.memory_space<vmem>> -> memref<16384xi32, #tpu.memory_space<vmem>>
    %dma_wait3A_122 = tpu.memref_slice %arg3[%add3A_89] : memref<1601536xi32, #tpu.memory_space<hbm>> -> memref<16384xi32, #tpu.memory_space<hbm>>
    tpu.wait_dma2 semaphore(%arg21 : memref<!tpu.dma_semaphore, #tpu.memory_space<semaphore_mem>>) src(%dma_wait3A_122 : memref<16384xi32, #tpu.memory_space<hbm>>) dst(%dma_wait3A_121 : memref<16384xi32, #tpu.memory_space<vmem>>)
    %dma_wait3A_123 = arith.constant 0 : i32
    %dma_wait3A_124 = tpu.memref_slice %arg17[%dma_wait3A_123] : memref<16384xi32, #tpu.memory_space<vmem>> -> memref<16384xi32, #tpu.memory_space<vmem>>
    %dma_wait3A_125 = tpu.memref_slice %arg4[%add3A_89] : memref<1601536xi32, #tpu.memory_space<hbm>> -> memref<16384xi32, #tpu.memory_space<hbm>>
    %dma_wait3A_126 = arith.constant 0 : i32
    %dma_wait3A_127 = tpu.memref_slice %arg17[%dma_wait3A_126] : memref<16384xi32, #tpu.memory_space<vmem>> -> memref<16384xi32, #tpu.memory_space<vmem>>
    %dma_wait3A_128 = tpu.memref_slice %arg4[%add3A_89] : memref<1601536xi32, #tpu.memory_space<hbm>> -> memref<16384xi32, #tpu.memory_space<hbm>>
    tpu.wait_dma2 semaphore(%arg21 : memref<!tpu.dma_semaphore, #tpu.memory_space<semaphore_mem>>) src(%dma_wait3A_128 : memref<16384xi32, #tpu.memory_space<hbm>>) dst(%dma_wait3A_127 : memref<16384xi32, #tpu.memory_space<vmem>>)
    %add3A_129 = arith.constant 49152 : i32
    %add3A_130 = arith.addi %mul3A_2, %add3A_129 : i32
    %dma_start3A_131 = arith.constant 0 : i32
    %dma_start3A_132 = tpu.memref_slice %arg14[%dma_start3A_131] : memref<16384xf32, #tpu.memory_space<vmem>> -> memref<896xf32, #tpu.memory_space<vmem>>
    %dma_start3A_133 = tpu.memref_slice %arg2[%add3A_130] : memref<1601536xf32, #tpu.memory_space<hbm>> -> memref<896xf32, #tpu.memory_space<hbm>>
    %dma_start3A_134 = arith.constant 0 : i32
    %dma_start3A_135 = tpu.memref_slice %arg14[%dma_start3A_134] : memref<16384xf32, #tpu.memory_space<vmem>> -> memref<896xf32, #tpu.memory_space<vmem>>
    %dma_start3A_136 = tpu.memref_slice %arg2[%add3A_130] : memref<1601536xf32, #tpu.memory_space<hbm>> -> memref<896xf32, #tpu.memory_space<hbm>>
    tpu.enqueue_dma source(%dma_start3A_136 : memref<896xf32, #tpu.memory_space<hbm>>) target(%dma_start3A_135 : memref<896xf32, #tpu.memory_space<vmem>>) target_semaphore(%arg22 : memref<!tpu.dma_semaphore, #tpu.memory_space<semaphore_mem>>)
    %dma_start3A_137 = arith.constant 0 : i32
    %dma_start3A_138 = tpu.memref_slice %arg16[%dma_start3A_137] : memref<16384xi32, #tpu.memory_space<vmem>> -> memref<896xi32, #tpu.memory_space<vmem>>
    %dma_start3A_139 = tpu.memref_slice %arg3[%add3A_130] : memref<1601536xi32, #tpu.memory_space<hbm>> -> memref<896xi32, #tpu.memory_space<hbm>>
    %dma_start3A_140 = arith.constant 0 : i32
    %dma_start3A_141 = tpu.memref_slice %arg16[%dma_start3A_140] : memref<16384xi32, #tpu.memory_space<vmem>> -> memref<896xi32, #tpu.memory_space<vmem>>
    %dma_start3A_142 = tpu.memref_slice %arg3[%add3A_130] : memref<1601536xi32, #tpu.memory_space<hbm>> -> memref<896xi32, #tpu.memory_space<hbm>>
    tpu.enqueue_dma source(%dma_start3A_142 : memref<896xi32, #tpu.memory_space<hbm>>) target(%dma_start3A_141 : memref<896xi32, #tpu.memory_space<vmem>>) target_semaphore(%arg22 : memref<!tpu.dma_semaphore, #tpu.memory_space<semaphore_mem>>)
    %dma_start3A_143 = arith.constant 0 : i32
    %dma_start3A_144 = tpu.memref_slice %arg18[%dma_start3A_143] : memref<16384xi32, #tpu.memory_space<vmem>> -> memref<896xi32, #tpu.memory_space<vmem>>
    %dma_start3A_145 = tpu.memref_slice %arg4[%add3A_130] : memref<1601536xi32, #tpu.memory_space<hbm>> -> memref<896xi32, #tpu.memory_space<hbm>>
    %dma_start3A_146 = arith.constant 0 : i32
    %dma_start3A_147 = tpu.memref_slice %arg18[%dma_start3A_146] : memref<16384xi32, #tpu.memory_space<vmem>> -> memref<896xi32, #tpu.memory_space<vmem>>
    %dma_start3A_148 = tpu.memref_slice %arg4[%add3A_130] : memref<1601536xi32, #tpu.memory_space<hbm>> -> memref<896xi32, #tpu.memory_space<hbm>>
    tpu.enqueue_dma source(%dma_start3A_148 : memref<896xi32, #tpu.memory_space<hbm>>) target(%dma_start3A_147 : memref<896xi32, #tpu.memory_space<vmem>>) target_semaphore(%arg22 : memref<!tpu.dma_semaphore, #tpu.memory_space<semaphore_mem>>)
    %parallel_loop3A_149 = arith.constant 0 : i32
    %parallel_loop3A_150 = arith.constant 16384 : i32
    %parallel_loop3A_151 = arith.constant 16 : i32
    scf.for %parallel_loop3A_180 = %parallel_loop3A_149 to %parallel_loop3A_150 step %parallel_loop3A_151  : i32 {
      %parallel_loop3A_181 = arith.index_cast %parallel_loop3A_180 : i32 to index
      %parallel_loop3A_182 = tpu.vector_load %arg13[%parallel_loop3A_181] {strides = array<i32>} : memref<16384xf32, #tpu.memory_space<vmem>>, vector<16xf32>,
      %parallel_loop3A_183 = arith.index_cast %parallel_loop3A_180 : i32 to index
      %parallel_loop3A_184 = tpu.vector_load %arg15[%parallel_loop3A_183] {strides = array<i32>} : memref<16384xi32, #tpu.memory_space<vmem>>, vector<16xi32>,
      %parallel_loop3A_185 = arith.index_cast %parallel_loop3A_180 : i32 to index
      %parallel_loop3A_186 = tpu.vector_load %arg17[%parallel_loop3A_185] {strides = array<i32>} : memref<16384xi32, #tpu.memory_space<vmem>>, vector<16xi32>,
      %parallel_loop3A_187 = tpu.vector_load_idx %arg10[%parallel_loop3A_184] : memref<64xf32, #tpu.memory_space<vmem>>[vector<16xi32>], vector<16xf32>,
      %parallel_loop3A_188 = arith.constant 16 : i32
      %parallel_loop3A_189 = vector.broadcast %parallel_loop3A_188 : i32 to vector<16xi32>
      %parallel_loop3A_190 = arith.muli %parallel_loop3A_186, %parallel_loop3A_189 : vector<16xi32>
      %parallel_loop3A_191 = arith.addi %parallel_loop3A_190, %iota3A : vector<16xi32>
      %parallel_loop3A_192 = arith.mulf %parallel_loop3A_187, %parallel_loop3A_182 : vector<16xf32>
      tpu.vector_store_idx %arg12[%parallel_loop3A_191], %parallel_loop3A_192 {add = true} : memref<16384xf32, #tpu.memory_space<vmem>>[vector<16xi32>], vector<16xf32>,
    } {sc.loop_unroll_factor = 8 : i64, sc.parallel_access}
    %dma_wait3A_152 = arith.constant 0 : i32
    %dma_wait3A_153 = tpu.memref_slice %arg14[%dma_wait3A_152] : memref<16384xf32, #tpu.memory_space<vmem>> -> memref<896xf32, #tpu.memory_space<vmem>>
    %dma_wait3A_154 = tpu.memref_slice %arg2[%add3A_130] : memref<1601536xf32, #tpu.memory_space<hbm>> -> memref<896xf32, #tpu.memory_space<hbm>>
    %dma_wait3A_155 = arith.constant 0 : i32
    %dma_wait3A_156 = tpu.memref_slice %arg14[%dma_wait3A_155] : memref<16384xf32, #tpu.memory_space<vmem>> -> memref<896xf32, #tpu.memory_space<vmem>>
    %dma_wait3A_157 = tpu.memref_slice %arg2[%add3A_130] : memref<1601536xf32, #tpu.memory_space<hbm>> -> memref<896xf32, #tpu.memory_space<hbm>>
    tpu.wait_dma2 semaphore(%arg22 : memref<!tpu.dma_semaphore, #tpu.memory_space<semaphore_mem>>) src(%dma_wait3A_157 : memref<896xf32, #tpu.memory_space<hbm>>) dst(%dma_wait3A_156 : memref<896xf32, #tpu.memory_space<vmem>>)
    %dma_wait3A_158 = arith.constant 0 : i32
    %dma_wait3A_159 = tpu.memref_slice %arg16[%dma_wait3A_158] : memref<16384xi32, #tpu.memory_space<vmem>> -> memref<896xi32, #tpu.memory_space<vmem>>
    %dma_wait3A_160 = tpu.memref_slice %arg3[%add3A_130] : memref<1601536xi32, #tpu.memory_space<hbm>> -> memref<896xi32, #tpu.memory_space<hbm>>
    %dma_wait3A_161 = arith.constant 0 : i32
    %dma_wait3A_162 = tpu.memref_slice %arg16[%dma_wait3A_161] : memref<16384xi32, #tpu.memory_space<vmem>> -> memref<896xi32, #tpu.memory_space<vmem>>
    %dma_wait3A_163 = tpu.memref_slice %arg3[%add3A_130] : memref<1601536xi32, #tpu.memory_space<hbm>> -> memref<896xi32, #tpu.memory_space<hbm>>
    tpu.wait_dma2 semaphore(%arg22 : memref<!tpu.dma_semaphore, #tpu.memory_space<semaphore_mem>>) src(%dma_wait3A_163 : memref<896xi32, #tpu.memory_space<hbm>>) dst(%dma_wait3A_162 : memref<896xi32, #tpu.memory_space<vmem>>)
    %dma_wait3A_164 = arith.constant 0 : i32
    %dma_wait3A_165 = tpu.memref_slice %arg18[%dma_wait3A_164] : memref<16384xi32, #tpu.memory_space<vmem>> -> memref<896xi32, #tpu.memory_space<vmem>>
    %dma_wait3A_166 = tpu.memref_slice %arg4[%add3A_130] : memref<1601536xi32, #tpu.memory_space<hbm>> -> memref<896xi32, #tpu.memory_space<hbm>>
    %dma_wait3A_167 = arith.constant 0 : i32
    %dma_wait3A_168 = tpu.memref_slice %arg18[%dma_wait3A_167] : memref<16384xi32, #tpu.memory_space<vmem>> -> memref<896xi32, #tpu.memory_space<vmem>>
    %dma_wait3A_169 = tpu.memref_slice %arg4[%add3A_130] : memref<1601536xi32, #tpu.memory_space<hbm>> -> memref<896xi32, #tpu.memory_space<hbm>>
    tpu.wait_dma2 semaphore(%arg22 : memref<!tpu.dma_semaphore, #tpu.memory_space<semaphore_mem>>) src(%dma_wait3A_169 : memref<896xi32, #tpu.memory_space<hbm>>) dst(%dma_wait3A_168 : memref<896xi32, #tpu.memory_space<vmem>>)
    %parallel_loop3A_170 = arith.constant 0 : i32
    %parallel_loop3A_171 = arith.constant 896 : i32
    %parallel_loop3A_172 = arith.constant 16 : i32
    scf.for %parallel_loop3A_180 = %parallel_loop3A_170 to %parallel_loop3A_171 step %parallel_loop3A_172  : i32 {
      %parallel_loop3A_181 = arith.index_cast %parallel_loop3A_180 : i32 to index
      %parallel_loop3A_182 = tpu.vector_load %arg14[%parallel_loop3A_181] {strides = array<i32>} : memref<16384xf32, #tpu.memory_space<vmem>>, vector<16xf32>,
      %parallel_loop3A_183 = arith.index_cast %parallel_loop3A_180 : i32 to index
      %parallel_loop3A_184 = tpu.vector_load %arg16[%parallel_loop3A_183] {strides = array<i32>} : memref<16384xi32, #tpu.memory_space<vmem>>, vector<16xi32>,
      %parallel_loop3A_185 = arith.index_cast %parallel_loop3A_180 : i32 to index
      %parallel_loop3A_186 = tpu.vector_load %arg18[%parallel_loop3A_185] {strides = array<i32>} : memref<16384xi32, #tpu.memory_space<vmem>>, vector<16xi32>,
      %parallel_loop3A_187 = tpu.vector_load_idx %arg10[%parallel_loop3A_184] : memref<64xf32, #tpu.memory_space<vmem>>[vector<16xi32>], vector<16xf32>,
      %parallel_loop3A_188 = arith.constant 16 : i32
      %parallel_loop3A_189 = vector.broadcast %parallel_loop3A_188 : i32 to vector<16xi32>
      %parallel_loop3A_190 = arith.muli %parallel_loop3A_186, %parallel_loop3A_189 : vector<16xi32>
      %parallel_loop3A_191 = arith.addi %parallel_loop3A_190, %iota3A : vector<16xi32>
      %parallel_loop3A_192 = arith.mulf %parallel_loop3A_187, %parallel_loop3A_182 : vector<16xf32>
      tpu.vector_store_idx %arg12[%parallel_loop3A_191], %parallel_loop3A_192 {add = true} : memref<16384xf32, #tpu.memory_space<vmem>>[vector<16xi32>], vector<16xf32>,
    } {sc.loop_unroll_factor = 8 : i64, sc.parallel_access}
    %dma_wait3A_173 = tpu.memref_slice %arg5[%mul3A_4] : memref<102400xi32, #tpu.memory_space<hbm>> -> memref<3200xi32, #tpu.memory_space<hbm>>
    %dma_wait3A_174 = tpu.memref_slice %arg5[%mul3A_4] : memref<102400xi32, #tpu.memory_space<hbm>> -> memref<3200xi32, #tpu.memory_space<hbm>>
    tpu.wait_dma2 semaphore(%arg23 : memref<!tpu.dma_semaphore, #tpu.memory_space<semaphore_mem>>) src(%dma_wait3A_174 : memref<3200xi32, #tpu.memory_space<hbm>>) dst(%arg19 : memref<3200xi32, #tpu.memory_space<vmem>>)
    %dma_wait3A_175 = tpu.memref_slice %arg6[%mul3A_4] : memref<102400xi32, #tpu.memory_space<hbm>> -> memref<3200xi32, #tpu.memory_space<hbm>>
    %dma_wait3A_176 = tpu.memref_slice %arg6[%mul3A_4] : memref<102400xi32, #tpu.memory_space<hbm>> -> memref<3200xi32, #tpu.memory_space<hbm>>
    tpu.wait_dma2 semaphore(%arg23 : memref<!tpu.dma_semaphore, #tpu.memory_space<semaphore_mem>>) src(%dma_wait3A_176 : memref<3200xi32, #tpu.memory_space<hbm>>) dst(%arg20 : memref<3200xi32, #tpu.memory_space<vmem>>)
    tpu.wait_dma2 semaphore(%arg23 : memref<!tpu.dma_semaphore, #tpu.memory_space<semaphore_mem>>) src(%arg7 : memref<64xf32, #tpu.memory_space<hbm>>) dst(%arg10 : memref<64xf32, #tpu.memory_space<vmem>>)
    tpu.wait_dma2 semaphore(%arg23 : memref<!tpu.dma_semaphore, #tpu.memory_space<semaphore_mem>>) src(%arg8 : memref<16xf32, #tpu.memory_space<hbm>>) dst(%arg11 : memref<16xf32, #tpu.memory_space<vmem>>)
    %parallel_loop3A_177 = arith.constant 0 : i32
    %parallel_loop3A_178 = arith.constant 3200 : i32
    %parallel_loop3A_179 = arith.constant 16 : i32
    scf.for %parallel_loop3A_180 = %parallel_loop3A_177 to %parallel_loop3A_178 step %parallel_loop3A_179  : i32 {
      %parallel_loop3A_181 = arith.index_cast %parallel_loop3A_180 : i32 to index
      %parallel_loop3A_182 = tpu.vector_load %arg19[%parallel_loop3A_181] {strides = array<i32>} : memref<3200xi32, #tpu.memory_space<vmem>>, vector<16xi32>,
      %parallel_loop3A_183 = arith.index_cast %parallel_loop3A_180 : i32 to index
      %parallel_loop3A_184 = tpu.vector_load %arg20[%parallel_loop3A_183] {strides = array<i32>} : memref<3200xi32, #tpu.memory_space<vmem>>, vector<16xi32>,
      %parallel_loop3A_185 = tpu.vector_load_idx %arg11[%parallel_loop3A_182] : memref<16xf32, #tpu.memory_space<vmem>>[vector<16xi32>], vector<16xf32>,
      %parallel_loop3A_186 = arith.constant 16 : i32
      %parallel_loop3A_187 = vector.broadcast %parallel_loop3A_186 : i32 to vector<16xi32>
      %parallel_loop3A_188 = arith.muli %parallel_loop3A_184, %parallel_loop3A_187 : vector<16xi32>
      %parallel_loop3A_189 = arith.addi %parallel_loop3A_188, %iota3A : vector<16xi32>
      tpu.vector_store_idx %arg12[%parallel_loop3A_189], %parallel_loop3A_185 {add = true} : memref<16384xf32, #tpu.memory_space<vmem>>[vector<16xi32>], vector<16xf32>,
    } {sc.loop_unroll_factor = 8 : i64, sc.parallel_access}
    "tpu.region"() ({
      %run_scoped3A = tpu.sem_alloc : memref<!tpu.dma_semaphore, #tpu.memory_space<semaphore_mem>>
      %dma_start3A_180 = arith.constant 0 : i32
      %dma_start3A_181 = tpu.memref_slice %arg9[%add3A, %dma_start3A_180] : memref<32x16384xf32, #tpu.memory_space<hbm>> -> memref<1x16384xf32, #tpu.memory_space<hbm>>
      %dma_start3A_182 = tpu.memref_squeeze %dma_start3A_181 : memref<1x16384xf32, #tpu.memory_space<hbm>> -> memref<16384xf32, #tpu.memory_space<hbm>>
      %dma_start3A_183 = arith.constant 0 : i32
      %dma_start3A_184 = tpu.memref_slice %arg9[%add3A, %dma_start3A_183] : memref<32x16384xf32, #tpu.memory_space<hbm>> -> memref<1x16384xf32, #tpu.memory_space<hbm>>
      %dma_start3A_185 = tpu.memref_squeeze %dma_start3A_184 : memref<1x16384xf32, #tpu.memory_space<hbm>> -> memref<16384xf32, #tpu.memory_space<hbm>>
      tpu.enqueue_dma source(%arg12 : memref<16384xf32, #tpu.memory_space<vmem>>) target(%dma_start3A_185 : memref<16384xf32, #tpu.memory_space<hbm>>) target_semaphore(%run_scoped3A : memref<!tpu.dma_semaphore, #tpu.memory_space<semaphore_mem>>)
      %dma_wait3A_186 = arith.constant 0 : i32
      %dma_wait3A_187 = tpu.memref_slice %arg9[%add3A, %dma_wait3A_186] : memref<32x16384xf32, #tpu.memory_space<hbm>> -> memref<1x16384xf32, #tpu.memory_space<hbm>>
      %dma_wait3A_188 = tpu.memref_squeeze %dma_wait3A_187 : memref<1x16384xf32, #tpu.memory_space<hbm>> -> memref<16384xf32, #tpu.memory_space<hbm>>
      %dma_wait3A_189 = arith.constant 0 : i32
      %dma_wait3A_190 = tpu.memref_slice %arg9[%add3A, %dma_wait3A_189] : memref<32x16384xf32, #tpu.memory_space<hbm>> -> memref<1x16384xf32, #tpu.memory_space<hbm>>
      %dma_wait3A_191 = tpu.memref_squeeze %dma_wait3A_190 : memref<1x16384xf32, #tpu.memory_space<hbm>> -> memref<16384xf32, #tpu.memory_space<hbm>>
      tpu.wait_dma2 semaphore(%run_scoped3A : memref<!tpu.dma_semaphore, #tpu.memory_space<semaphore_mem>>) src(%arg12 : memref<16384xf32, #tpu.memory_space<vmem>>) dst(%dma_wait3A_191 : memref<16384xf32, #tpu.memory_space<hbm>>)
      tpu.yield
    }) : () -> ()
    return
  }
}

module attributes {stable_mosaic.version = 14 : i64} {
  func.func @_combine_body(%arg0: memref<32x1024x16xf32, #tpu.memory_space<vmem>>, %arg1: memref<1x1024xf32, #tpu.memory_space<vmem>>) attributes {dimension_semantics = [], scalar_prefetch = 0 : i64, scratch_operands = 0 : i64, tpu.core_type = #tpu.core_type<tc>} {
    %get3A = arith.constant 0 : index
    %get3A_0 = arith.constant 0 : index
    %get3A_1 = arith.constant 0 : index
    %get3A_2 = vector.load %arg0[%get3A, %get3A_0, %get3A_1] : memref<32x1024x16xf32, #tpu.memory_space<vmem>>, vector<32x1024x16xf32>
    %reduce_sum3A = arith.constant dense<0.000000e+00> : vector<1024xf32>
    %reduce_sum3A_3 = vector.multi_reduction <add>, %get3A_2, %reduce_sum3A [0, 2] : vector<32x1024x16xf32> to vector<1024xf32>
    %reshape3A = vector.shape_cast %reduce_sum3A_3 : vector<1024xf32> to vector<1x1024xf32>
    %add3A = arith.constant 5.000000e-01 : f32
    %add3A_4 = vector.broadcast %add3A : f32 to vector<1x1024xf32>
    %add3A_5 = arith.addf %reshape3A, %add3A_4 : vector<1x1024xf32>
    %swap3A = arith.constant 0 : index
    %swap3A_6 = arith.constant 0 : index
    %swap3A_7 = vector.load %arg1[%swap3A, %swap3A_6] : memref<1x1024xf32, #tpu.memory_space<vmem>>, vector<1x1024xf32>
    tpu.vector_store %arg1[%swap3A, %swap3A_6], %add3A_5 {strides = array<i32>} : memref<1x1024xf32, #tpu.memory_space<vmem>>, vector<1x1024xf32>,
    return
  }
}

</mosaic_0001>

<sc_bundles>
// kernel: kernel.4.cloned.1.call-start
scs
__scs_entry_jumppad:
0x0: {  	(pc) =	sbr.rel $0x88, $3  }
0x1: {  	(tag) =	ssettag $0x0;
	lr =	simm.s32 $0x1  }
0x2: {  	[smem:$0x3F9A] =	sst lr;
	_ =	strace $0xD0000000  }
0x3: {  	_ = 	snop  }
0x4: {  	_ = 	snop  }
0x5: {  	_ = 	snop  }
0x6: {  	_ = 	snop  }
0x7: {  	_ = 	snop  }
__scs_overlays_trampoline_lowered:
0x8: {  	[smem:$0x3FA9] =	sst s0  }
0x9: {  	[smem:$0x3FAA] =	sst s1  }
0xa: {  	[smem:$0x3FAB] =	sst s2  }
0xb: {  	[smem:$0x3FAC] =	sst s3  }
0xc: {  	[smem:$0x3FAD] =	sst s4  }
0xd: {  	[smem:$0x3FAE] =	sst s5  }
0xe: {  	[smem:$0x3FAF] =	sst s6  }
0xf: {  	[smem:$0x3FB0] =	sst s7  }
0x10: {  	[smem:$0x3FB1] =	sst s8  }
0x11: {  	[smem:$0x3FB2] =	sst s9;
	s0 =	simm.s32 @!p0 $0x0  }
0x12: {  	s1 =	sld [smem:$0x3F98];
	s0 =	simm.s32 @p0 $0x1  }
0x13: {  	[smem:$0x3FB3] =	sst s0;
	s0 =	simm.s32 @!p1 $0x0  }
0x14: {  	s2 =	sld [smem:$0x3F97];
	s0 =	simm.s32 @p1 $0x1  }
0x15: {  	[smem:$0x3FB4] =	sst s0;
	s0 =	simm.s32 @!p2 $0x0  }
0x16: {  	s3 =	sld [smem:$0x3FDB];
	s0 =	simm.s32 @p2 $0x1  }
0x17: {  	s4 =	simm.s32 $0x1BF5;
	[smem:$0x3FB6] =	sst s0  }
0x18: {  	s0 =	sld [smem:$0x3F99];
	_ =	swait.ge [sflag:s4], $0x0  }
0x19: {  	s7 =	sld [smem:$0x3F9A]  }
0x1a: {  	s8 =	sadd.s32 $0xFFFFE003, lr  }
0x1b: {  	s9 =	sadd.s32 $0xFFFFFEF7, lr;
	s5 =	simm.s32 $0xFFFFFFFF;
	p2 =	slt.u32 s8, $0xFFFFF086  }
0x1c: {  	p1 =	slt.u32 s9, $0xF7A;
	s5 =	simm.s32 @!p2 $0x0  }
0x1d: {  	s5 =	simm.s32 @p1 $0x1;
	p0 =	seq.s32 s7, s2  }
0x1e: {  	s7 =	smul.u32 @!p0 $0xF7A, s2;
	p2 =	seq.s32 @!p0 s5, $0x0  }
0x1f: {  	s9 =	smul.u32 $0xF7A, s1;
	s8 =	simm.s32 @!p0 $0x1BF5;
	p2 =	por !p2, p0  }
0x20: {  	[sflag:s8] =	ssyncset.s32 @!p0 $0xFFFFF086;
	s6 =	sadd.s32 @!p0 s3, s7;
	s7 =	simm.s32 @!p0 $0x108  }
0x21: {  	s3 =	sadd.s32 s3, s9;
	s6 =	sadd.s32 @!p0 $0x88, s6;
	s7 =	simm.s32 @p2 $0x1082  }
0x22: {  	[simem:s7], [sflag:s8] =	dma.local @!p0 [hbm:s6], $0xF7A  }
0x23: {  	s9 =	sor.u32 $0xD0000000, s2;
	s6 =	simm.s32 $0x108;
	_ =	swait.ge @!p0 [sflag:s8], $0x0  }
0x24: {  	s3 =	sadd.s32 $0x88, s3;
	s6 =	simm.s32 @!p1 $0x1082;
	[sflag:s4] =	ssyncset.s32 $0xFFFFF086  }
0x25: {  	[simem:s6], [sflag:s4] =	dma.local [hbm:s3], $0xF7A  }
0x26: {  	[smem:$0x3F9A] =	sst s1;
	(tag) =	ssettag s2;
	_ =	strace s9  }
0x27: {  	s1 =	sld [smem:$0x3FAA]  }
0x28: {  	s2 =	sld [smem:$0x3FAB]  }
0x29: {  	s4 =	sld [smem:$0x3FAD]  }
0x2a: {  	p0 =	seq.s32 s5, $0x0;
	s5 =	sld [smem:$0x3FAE]  }
0x2b: {  	s6 =	sld [smem:$0x3FAF]  }
0x2c: {  	s7 =	sld [smem:$0x3FB0]  }
0x2d: {  	s3 =	simm.s32 $0x108;
	s8 =	sld [smem:$0x3FB1]  }
0x2e: {  	s3 =	simm.s32 @!p0 $0x1082;
	s9 =	sld [smem:$0x3FB2]  }
0x2f: {  	lr =	sadd.s32 s0, s3;
	s0 =	sld [smem:$0x3FA9]  }
0x30: {  	s3 =	sld [smem:$0x3FAC]  }
0x31: {  	[smem:$0x3FB5] =	sst s10  }
0x32: {  	s10 =	sld [smem:$0x3FB3];
	_ =	sdelay $0x3  }
0x33: {  	p0 =	seq.s32 s10, $0x1;
	s10 =	sld [smem:$0x3FB5];
	_ =	sdelay $0x3  }
0x34: {  	[smem:$0x3FB5] =	sst s10  }
0x35: {  	s10 =	sld [smem:$0x3FB4];
	_ =	sdelay $0x3  }
0x36: {  	p1 =	seq.s32 s10, $0x1;
	s10 =	sld [smem:$0x3FB5];
	_ =	sdelay $0x3  }
0x37: {  	[smem:$0x3FB5] =	sst s10  }
0x38: {  	s10 =	sld [smem:$0x3FB6]  }
0x39: {  	_ = 	snop;
	(pc) =	sbr.ind lr, $3  }
0x3a: {  	_ = 	snop  }
0x3b: {  	_ = 	snop  }
0x3c: {  	p2 =	seq.s32 s10, $0x1;
	s10 =	sld [smem:$0x3FB5]  }
0x3d: {  	_ =	shalt  }
0x3e: {  	_ =	shalt  }
0x3f: {  	_ =	shalt  }
0x40: {  	_ =	shalt  }
0x41: {  	_ =	shalt  }
0x42: {  	_ =	shalt  }
0x43: {  	_ =	shalt  }
0x44: {  	_ =	shalt  }
0x45: {  	_ =	shalt  }
0x46: {  	_ =	shalt  }
0x47: {  	_ =	shalt  }
0x48: {  	_ =	shalt  }
0x49: {  	_ =	shalt  }
0x4a: {  	_ =	shalt  }
0x4b: {  	_ =	shalt  }
0x4c: {  	_ =	shalt  }
0x4d: {  	_ =	shalt  }
0x4e: {  	_ =	shalt  }
0x4f: {  	_ =	shalt  }
0x50: {  	_ =	shalt  }
0x51: {  	_ =	shalt  }
0x52: {  	_ =	shalt  }
0x53: {  	_ =	shalt  }
0x54: {  	_ =	shalt  }
0x55: {  	_ =	shalt  }
0x56: {  	_ =	shalt  }
0x57: {  	_ =	shalt  }
0x58: {  	_ =	shalt  }
0x59: {  	_ =	shalt  }
0x5a: {  	_ =	shalt  }
0x5b: {  	_ =	shalt  }
0x5c: {  	_ =	shalt  }
0x5d: {  	_ =	shalt  }
0x5e: {  	_ =	shalt  }
0x5f: {  	_ =	shalt  }
0x60: {  	_ =	shalt  }
0x61: {  	_ =	shalt  }
0x62: {  	_ =	shalt  }
0x63: {  	_ =	shalt  }
0x64: {  	_ =	shalt  }
0x65: {  	_ =	shalt  }
0x66: {  	_ =	shalt  }
0x67: {  	_ =	shalt  }
0x68: {  	_ =	shalt  }
0x69: {  	_ =	shalt  }
0x6a: {  	_ =	shalt  }
0x6b: {  	_ =	shalt  }
0x6c: {  	_ =	shalt  }
0x6d: {  	_ =	shalt  }
0x6e: {  	_ =	shalt  }
0x6f: {  	_ =	shalt  }
0x70: {  	_ =	shalt  }
0x71: {  	_ =	shalt  }
0x72: {  	_ =	shalt  }
0x73: {  	_ =	shalt  }
0x74: {  	_ =	shalt  }
0x75: {  	_ =	shalt  }
0x76: {  	_ =	shalt  }
0x77: {  	_ =	shalt  }
0x78: {  	_ =	shalt  }
0x79: {  	_ =	shalt  }
0x7a: {  	_ =	shalt  }
0x7b: {  	_ =	shalt  }
0x7c: {  	_ =	shalt  }
0x7d: {  	_ =	shalt  }
0x7e: {  	_ =	shalt  }
0x7f: {  	_ =	shalt  }
0x80: {  	_ =	shalt  }
0x81: {  	_ =	shalt  }
0x82: {  	_ =	shalt  }
0x83: {  	_ =	shalt  }
0x84: {  	_ =	shalt  }
0x85: {  	_ =	shalt  }
0x86: {  	_ =	shalt  }
0x87: {  	_ =	shalt  }
.Lfunc_end0:
.L_simem_size_0:
called_computation_lowered:
.L_overlay_start_0:
0x88: {  	s2 =	sld [smem:$0x3FD9]  }
0x89: {  	s3 =	sld [smem:$0x3FFE];
	_ =	sdelay $0x1  }
0x8a: {  	s1 =	srdreg.scid  }
0x8b: {  	s0 =	sand.u32 $0x1, s1  }
0x8c: {  	s17 =	sshll.u32 s0, $0xA;
	s2 =	sadd.s32 s3, s2  }
0x8d: {  	s2 =	sadd.s32 s2, s17  }
0x8e: {  	[smem:$0x3FC1] =	sst s2  }
0x8f: {  	_ = 	snop  }
0x90: {  	s2 =	sld [smem:$0x3FC3]  }
0x91: {  	s18 =	sld [smem:$0x3FD0];
	(tm) =	ssettm $0x1  }
0x92: {  	s4 =	sld [smem:$0x3FFB];
	_ =	sdelay $0x3  }
0x93: {  	_ =	strace s4  }
0x94: {  	s4 =	sld [smem:$0x3FFC];
	_ =	sdelay $0x3  }
0x95: {  	_ =	strace s4  }
0x96: {  	s4 =	sld [smem:$0x3FFD];
	_ =	sdelay $0x3  }
0x97: {  	_ =	strace s4  }
0x98: {  	_ =	strace $0x8FFFFFFF  }
0x99: {  	s19 =	sld [smem:$0x3FDB];
	_ =	sdelay $0x1  }
0x9a: {  	s5 =	simm.s32 $_scs_section_size  }
0x9b: {  	s6 =	simm.s32 $_size__tile_overlayer_lowered;
	s7 =	simm.s32 $_tile_overlayer_lowered  }
0x9c: {  	s22 =	simm.s32 $0x1BFF;
	s21 =	sshll.u32 s7, $0x1;
	s4 =	sadd.s32 s5, s19  }
0x9d: {  	s8 =	simm.s32 $0x0;
	s20 =	sshll.u32 s6, $0x1;
	s6 =	sadd.s32 s21, s4  }
0x9e: {  	[timem:s8], [sflag:s22] =	dma.local [hbm:s6], s20  }
0x9f: {  	_ =	swait.ge [sflag:s22], s20  }
0xa0: {  	s5 =	ssub.s32 $0x0, s20;
	[sflag:s22] =	ssyncset.done $0x0  }
0xa1: {  	[sflag:s22] =	ssyncadd.s32 s5;
	_ =	sdelay $0x1  }
0xa2: {  	s23 =	simm.s32 $0x1B8B  }
0xa3: {  	_ =	swait.ge [sflag:s23], $0x1  }
0xa4: {  	[sflag:s23] =	ssyncset.done $0x0  }
0xa5: {  	s25 =	simm.s32 $0x1B8E;
	s24 =	sld [smem:$0x3FFE];
	[sflag:s23] =	ssyncadd.s32 $0xFFFFFFFF  }
0xa6: {  	s26 =	simm.s32 $execute0_lowered;
	[smem:$0x3FD2] =	sst s25  }
0xa7: {  	s6 =	sshll.u32 s26, $0x1;
	_ =	strace $0x80000046;
	[dreg:$0x1] =	wrdreg $0xFFFFFFFF  }
0xa8: {  	s28 =	simm.s32 $_size_execute0_lowered;
	s4 =	sadd.s32 s4, s6;
	[dreg:$0x0] =	wrdreg $0x0  }
0xa9: {  	s6 =	sshll.u32 s28, $0x1;
	[dreg:$0x2] =	wrdreg s4  }
0xaa: {  	[dreg:$0x3] =	wrdreg s6  }
0xab: {  	[dreg:$0x4] =	wrdreg $0xC0  }
0xac: {  	_ =	task [dreg:s8], $0x5FFFF  }
0xad: {  	[dreg:$0x1] =	wrdreg $0xFFFFFFFF  }
0xae: {  	[dreg:$0x0] =	wrdreg $0x60  }
0xaf: {  	[dreg:$0x2] =	wrdreg s24  }
0xb0: {  	[dreg:$0x3] =	wrdreg s2  }
0xb1: {  	[dreg:$0x4] =	wrdreg s18  }
0xb2: {  	[dreg:$0x5] =	wrdreg $0x9  }
0xb3: {  	_ =	task.clear_ibuf [dreg:s8], $0x6FFFF;
	_ =	strace $0x90000046  }
0xb4: {  	s29 =	simm.s32 $0x9;
	_ =	strace $0x80000048  }
0xb5: {  	_ =	swait.ge [sflag:s29], $0x1  }
0xb6: {  	[sflag:s29] =	ssyncadd.s32 $0xFFFFFFFF  }
0xb7: {  	_ =	strace $0x90000048  }
0xb8: {  	_ =	sfence  }
0xb9: {  	s30 =	sld [smem:$0x0];
	_ =	sdelay $0x2  }
0xba: {  	s31 =	sshll.u32 s1, $0xD;
	s1 =	sshrl.u32 s1, $0x2  }
0xbb: {  	s3 =	sand.u32 $0x4000, s31;
	s1 =	sadd.s32 s1, s30  }
0xbc: {  	s0 =	sor.u32 s3, s0;
	s1 =	sshll.u32 s1, $0x11  }
0xbd: {  	s0 =	sor.u32 s1, s0  }
0xbe: {  	s0 =	sadd.s32 $0x8F2B, s0  }
0xbf: {  	[sflag:s0] =	ssyncadd.remote.s32 $0x1  }
0xc0: {  	_ =	sfence.sel $0xFFFF  }
0xc1: {  	[dreg:$0x0] =	wrdreg $0xFFFFFFFF;
	(pc) =	sbr.abs _section_cstart, $3  }
0xc2: {  	[dreg:$0x1] =	wrdreg $0xFFFFFFFF  }
0xc3: {  	_ =	task.clear_ibuf [dreg:s8], $0x2FFFF;
	_ =	strace $0x9FFFFFFF  }
0xc4: {  	(tm) =	ssettm $0x7FFFFFFF  }
0xc5: {  	_ =	shalt  }
tec
execute0_lowered:
.L_overlay_start_1:
0x0: {  	(tag) =	ssettag $0x1  }
0x1: {  	s0 =	rddreg [dreg:$0x0];
	s4 =	simm.s32 $0x0;
	s1 =	srdreg.scid  }
0x2: {  	s8 =	stileid.u32;
	s28 =	simm.s32 $0x1;
	s29 =	simm.s32 $0x8100  }
0x3: {  	s30 =	simm.s32 $0x10100;
	s31 =	simm.s32 $0x18100;
	s21 =	simm.s32 $0x4  }
0x4: {  	s22 =	simm.s32 $0x0;
	[smem:$0x7FF] =	sst s4;
	s2 =	sadd.s32 $0x1200, s0  }
0x5: {  	s1 =	sand.u32 $0x1, s1;
	s3 =	sshll.u32 s8, $0x1;
	s5 =	sadd.s32 $0x35200, s0  }
0x6: {  	s6 =	sadd.s32 $0x66000, s0;
	s8 =	sshll.u32 s8, $0xC;
	s3 =	sor.u32 s1, s3  }
0x7: {  	_ =	strace $0x80000047;
	s1 =	ssub.s32 $0x2, s1;
	s7 =	smul.u32 $0x190, s3  }
0x8: {  	s9 =	sshrl.u32 s1, $0x1;
	s10 =	smul.u32 $0xC380, s3;
	s3 =	sshll.u32 s3, $0x4  }
0x9: {  	s8 =	sand.u32 $0xC000, s8;
	s1 =	ssub.s32 s1, s9;
	s26 =	sand.u32 $0x70, s3  }
0xa: {  	s3 =	simm.s32 $0x2;
	s7 =	sadd.s32 s7, s0;
	s0 =	sadd.s32 s8, s0  }
0xb: {  	s24 =	sshrl.u32 s10, $0x3;
	s20 =	smax.u32 s1, $0x1;
	s1 =	simm.s32 $0x3  }
0xc: {  	s23 =	sadd.s32 $0x96E00, s7;
	s7 =	sadd.s32 $0x32000, s7;
	s25 =	sadd.s32 s2, s24  }
0xd: {  	s8 =	sadd.s32 s5, s24;
	s12 =	sadd.s32 $0x800, s24;
	[dreg:$0x4] =	wrdreg s23  }
0xe: {  	s9 =	sadd.s32 s6, s24;
	s15 =	sadd.s32 $0x1000, s24;
	[dreg:$0x5] =	wrdreg s7  }
0xf: {  	s0 =	sadd.s32 s26, s0;
	s26 =	simm.s32 $0x14100;
	[dreg:$0x6] =	wrdreg s25  }
0x10: {  	s10 =	sadd.s32 s2, s12;
	s11 =	sadd.s32 s5, s12;
	s12 =	sadd.s32 s6, s12  }
0x11: {  	s13 =	sadd.s32 s2, s15;
	s14 =	sadd.s32 s5, s15;
	s7 =	sadd.s32 $0x1800, s24  }
0x12: {  	s15 =	sadd.s32 s6, s15;
	s19 =	sadd.s32 $0x9A000, s0;
	s23 =	simm.s32 $0x80  }
0x13: {  	s24 =	simm.s32 $0x4100;
	s25 =	simm.s32 $0xC100;
	s0 =	simm.s32 $0x100  }
0x14: {  	v0 =	vimm.f32 $0.0e+00;
	v1 =	vlaneseq.u32;
	s16 =	sadd.s32 s2, s7;
	s17 =	sadd.s32 s5, s7;
	s18 =	sadd.s32 s6, s7  }
.LBB2_1:
0x15: {  	s2 =	rddreg [dreg:$0x4];
	s5 =	simm.s32 $0x1C100  }
0x16: {  	[tilespmem:s5], [sflag:$0x3] =	stream.linear.gather [hbm4b:s2+s4], $0xC80, $0x38;
	[tilespmem:$0x1DA00] =	vst v63  }
0x17: {  	s6 =	rddreg [dreg:$0x5];
	s7 =	simm.s32 $0x1CD80  }
0x18: {  	[tilespmem:s7], [sflag:$0x3] =	stream.linear.gather [hbm4b:s6+s4], $0xC80, $0x38;
	[tilespmem:$0x1DA00] =	vst v63  }
0x19: {  	s5 =	rddreg [dreg:$0x1]  }
0x1a: {  	[tilespmem:s4], [sflag:$0x3] =	stream.linear.gather [hbm4b:s5+s4], $0x80, $0x38;
	[tilespmem:$0x1DA00] =	vst v63  }
0x1b: {  	s6 =	rddreg [dreg:$0x2]  }
0x1c: {  	[tilespmem:s23], [sflag:$0x3] =	stream.linear.gather [hbm4b:s6+s4], $0x80, $0x38;
	[tilespmem:$0x1DA00] =	vst v63  }
0x1d: {  	s7 =	rddreg [dreg:$0x6]  }
0x1e: {  	[tilespmem:s24], [sflag:$0x1] =	stream.linear.gather [hbm4b:s7+s4], $0x4000, $0x38;
	[tilespmem:$0x1DA00] =	vst v63  }
0x1f: {  	_ = 	snop  }
0x20: {  	[tilespmem:s25], [sflag:$0x1] =	stream.linear.gather [hbm4b:s8+s4], $0x4000, $0x38;
	[tilespmem:$0x1DA00] =	vst v63  }
0x21: {  	s2 =	simm.s32 $0x140  }
0x22: {  	[tilespmem:s26], [sflag:$0x1] =	stream.linear.gather [hbm4b:s9+s4], $0x4000, $0x38;
	[tilespmem:$0x1DA00] =	vst v63  }
0x23: {  	[tilespmem:s2+$0xFFFFFFC0] =	vst v0  }
0x24: {  	[tilespmem:s2+$0x30] =	vst v0  }
0x25: {  	[tilespmem:s2+$0x20] =	vst v0  }
0x26: {  	[tilespmem:s2+$0x10] =	vst v0  }
0x27: {  	[tilespmem:s2+$0x0] =	vst v0  }
0x28: {  	[tilespmem:s2+$0xFFFFFFF0] =	vst v0  }
0x29: {  	s5 =	simm.s32 $0x0;
	[tilespmem:s2+$0xFFFFFFE0] =	vst v0  }
.LBB2_2:
0x2a: {  	s5 =	sadd.s32 $0x80, s5;
	[tilespmem:s2+$0xFFFFFFD0] =	vst v0;
	s2 =	sadd.s32 $0x80, s2  }
0x2b: {  	[tilespmem:s2+$0xFFFFFFC0] =	vst v0;
	p0 =	slt.u32 s5, $0x3F80  }
0x2c: {  	[tilespmem:s2+$0x30] =	vst v0  }
.Ltmp0:
0x2d: {  	[tilespmem:s2+$0x20] =	vst v0;
	(pc) =	sbr.rel @p0 .LBB2_2-.Ltmp0, $4  }
0x2e: {  	[tilespmem:s2+$0x10] =	vst v0  }
0x2f: {  	[tilespmem:s2+$0x0] =	vst v0  }
0x30: {  	[tilespmem:s2+$0xFFFFFFF0] =	vst v0  }
0x31: {  	[tilespmem:s2+$0xFFFFFFE0] =	vst v0  }
0x32: {  	[tilespmem:s2+$0xFFFFFFD0] =	vst v0  }
0x33: {  	_ =	swait.ge [sflag:s28], $0x4000  }
0x34: {  	[sflag:s28] =	ssyncset.done $0x0  }
0x35: {  	[sflag:s28] =	ssyncadd.s32 $0xFFFFC000  }
0x36: {  	_ =	swait.ge [sflag:s28], $0x4000  }
0x37: {  	[sflag:s28] =	ssyncset.done $0x0  }
0x38: {  	[sflag:s28] =	ssyncadd.s32 $0xFFFFC000  }
0x39: {  	_ =	swait.ge [sflag:s28], $0x4000  }
0x3a: {  	[sflag:s28] =	ssyncset.done $0x0  }
0x3b: {  	[sflag:s28] =	ssyncadd.s32 $0xFFFFC000  }
0x3c: {  	[tilespmem:s29], [sflag:$0x2] =	stream.linear.gather [hbm4b:s10+s4], $0x4000, $0x38;
	[tilespmem:$0x1DA00] =	vst v63  }
0x3d: {  	_ = 	snop  }
0x3e: {  	[tilespmem:s30], [sflag:$0x2] =	stream.linear.gather [hbm4b:s11+s4], $0x4000, $0x38;
	[tilespmem:$0x1DA00] =	vst v63  }
0x3f: {  	s6 =	simm.s32 $0xC140  }
0x40: {  	[tilespmem:s31], [sflag:$0x2] =	stream.linear.gather [hbm4b:s12+s4], $0x4000, $0x38;
	[tilespmem:$0x1DA00] =	vst v63  }
0x41: {  	v2 =	vld [tilespmem:s6+$0x30]  }
0x42: {  	v3 =	vld [tilespmem:s6+$0xFFFFFFC0]  }
0x43: {  	v4 =	vld [tilespmem:s6+$0xFFFFFFD0]  }
0x44: {  	v5 =	vld [tilespmem:s6+$0xFFFFFFE0]  }
0x45: {  	s2 =	simm.s32 $0x14140;
	v6 =	vld [tilespmem:s6+$0xFFFFFFF0]  }
0x46: {  	v7 =	vld [tilespmem:s2+$0x30]  }
0x47: {  	v8 =	vld [tilespmem:s6+$0x0]  }
0x48: {  	s5 =	simm.s32 $0x4140;
	v9 =	vld [tilespmem:s6+$0x10]  }
0x49: {  	v10 =	vld [tilespmem:s5+$0x30]  }
0x4a: {  	v11 =	vld [tilespmem:s6+$0x20]  }
0x4b: {  	v56 =	vld [tilespmem:s2+$0xFFFFFFC0]  }
0x4c: {  	v57 =	vld [tilespmem:s2+$0xFFFFFFD0]  }
0x4d: {  	v58 =	vld [tilespmem:s2+$0xFFFFFFE0]  }
0x4e: {  	v12 =	vld [tilespmem:s2+$0xFFFFFFF0]  }
0x4f: {  	v13 =	vld [tilespmem:s2+$0x0]  }
0x50: {  	v14 =	vld [tilespmem:s2+$0x10]  }
0x51: {  	v15 =	vld [tilespmem:s2+$0x20]  }
0x52: {  	v16 =	vld [tilespmem:s5+$0xFFFFFFD0]  }
0x53: {  	v17 =	vld [tilespmem:s5+$0xFFFFFFE0]  }
0x54: {  	v18 =	vld [tilespmem:s5+$0xFFFFFFF0]  }
0x55: {  	v19 =	vld [tilespmem:s5+$0x0]  }
0x56: {  	v20 =	vld [tilespmem:s5+$0x10]  }
0x57: {  	v59 =	vld [tilespmem:s5+$0x20]  }
0x58: {  	v21 =	vld [tilespmem:s5+$0xFFFFFFC0]  }
0x59: {  	v2 =	vld.idx.msk [tilespmem:v2+s4+$0x0], $0xffff  }
0x5a: {  	v7 =	vshll.u32 v7, $0x4;
	v5 =	vld.idx.msk [tilespmem:v5+s4+$0x0], $0xffff  }
0x5b: {  	v7 =	vor.u32 v1, v7;
	v6 =	vld.idx.msk [tilespmem:v6+s4+$0x0], $0xffff  }
0x5c: {  	v55 =	vld.idx.msk [tilespmem:v11+s4+$0x0], $0xffff;
	v11 =	vshll.u32 v58, $0x4  }
0x5d: {  	v12 =	vshll.u32 v12, $0x4;
	v8 =	vld.idx.msk [tilespmem:v8+s4+$0x0], $0xffff;
	v11 =	vor.u32 v1, v11  }
0x5e: {  	v13 =	vshll.u32 v13, $0x4;
	v12 =	vor.u32 v1, v12;
	v3 =	vld.idx.msk [tilespmem:v3+s4+$0x0], $0xffff;
	v2 =	vmul.f32 v2, v10  }
0x5f: {  	v15 =	vshll.u32 v15, $0x4;
	v13 =	vor.u32 v1, v13;
	v4 =	vld.idx.msk [tilespmem:v4+s4+$0x0], $0xffff  }
0x60: {  	v15 =	vor.u32 v1, v15;
	v10 =	vshll.u32 v57, $0x4;
	v5 =	vmul.f32 v5, v17;
	[tilespmem:v7+s0+$0x0] =	vst.idx.add.f32.msk $0xffff, v2  }
0x61: {  	v60 =	vmul.f32 v6, v18;
	v10 =	vor.u32 v1, v10;
	v2 =	vld.idx.msk [tilespmem:v9+s4+$0x0], $0xffff;
	v9 =	vshll.u32 v56, $0x4  }
0x62: {  	v14 =	vshll.u32 v14, $0x4;
	v62 =	vmul.f32 v8, v19;
	[tilespmem:v11+s0+$0x0] =	vst.idx.add.f32.msk $0xffff, v5;
	v61 =	vor.u32 v1, v9  }
0x63: {  	v14 =	vor.u32 v1, v14;
	v63 =	vmul.f32 v55, v59;
	[tilespmem:v12+s0+$0x0] =	vst.idx.add.f32.msk $0xffff, v60  }
0x64: {  	v4 =	vmul.f32 v4, v16;
	[tilespmem:v13+s0+$0x0] =	vst.idx.add.f32.msk $0xffff, v62  }
0x65: {  	v3 =	vmul.f32 v3, v21;
	[tilespmem:v15+s0+$0x0] =	vst.idx.add.f32.msk $0xffff, v63  }
0x66: {  	[tilespmem:v10+s0+$0x0] =	vst.idx.add.f32.msk $0xffff, v4;
	v2 =	vmul.f32 v2, v20  }
0x67: {  	[tilespmem:v61+s0+$0x0] =	vst.idx.add.f32.msk $0xffff, v3  }
0x68: {  	s7 =	simm.s32 $0xC1C0;
	s6 =	simm.s32 $0x0;
	[tilespmem:v14+s0+$0x0] =	vst.idx.add.f32.msk $0xffff, v2  }
.LBB2_4:
0x69: {  	v2 =	vld [tilespmem:s7+$0x30];
	s6 =	sadd.s32 $0x80, s6  }
0x6a: {  	v3 =	vld [tilespmem:s7+$0xFFFFFFC0];
	p0 =	slt.u32 s6, $0x3F80  }
0x6b: {  	v4 =	vld [tilespmem:s7+$0xFFFFFFD0]  }
0x6c: {  	v5 =	vld [tilespmem:s7+$0xFFFFFFE0]  }
0x6d: {  	s2 =	sadd.s32 $0x80, s2;
	v6 =	vld [tilespmem:s7+$0xFFFFFFF0]  }
0x6e: {  	v7 =	vld [tilespmem:s2+$0x30]  }
0x6f: {  	v8 =	vld [tilespmem:s7+$0x0]  }
0x70: {  	v9 =	vld [tilespmem:s7+$0x10]  }
0x71: {  	s5 =	sadd.s32 $0x80, s5;
	v2 =	vld.idx.msk [tilespmem:v2+s4+$0x0], $0xffff  }
0x72: {  	v10 =	vld [tilespmem:s5+$0x30]  }
0x73: {  	v11 =	vld [tilespmem:s7+$0x20];
	v7 =	vshll.u32 v7, $0x4  }
0x74: {  	v3 =	vld.idx.msk [tilespmem:v3+s4+$0x0], $0xffff;
	v7 =	vor.u32 v1, v7  }
0x75: {  	v4 =	vld.idx.msk [tilespmem:v4+s4+$0x0], $0xffff  }
0x76: {  	v5 =	vld.idx.msk [tilespmem:v5+s4+$0x0], $0xffff  }
0x77: {  	v6 =	vld.idx.msk [tilespmem:v6+s4+$0x0], $0xffff;
	v2 =	vmul.f32 v2, v10  }
0x78: {  	v8 =	vld.idx.msk [tilespmem:v8+s4+$0x0], $0xffff  }
0x79: {  	[tilespmem:v7+s0+$0x0] =	vst.idx.add.f32.msk $0xffff, v2  }
0x7a: {  	v2 =	vld.idx.msk [tilespmem:v9+s4+$0x0], $0xffff  }
0x7b: {  	v7 =	vld.idx.msk [tilespmem:v11+s4+$0x0], $0xffff  }
0x7c: {  	v9 =	vld [tilespmem:s2+$0xFFFFFFC0]  }
0x7d: {  	v10 =	vld [tilespmem:s2+$0xFFFFFFD0]  }
0x7e: {  	v11 =	vld [tilespmem:s2+$0xFFFFFFE0]  }
0x7f: {  	v12 =	vld [tilespmem:s2+$0xFFFFFFF0]  }
0x80: {  	v13 =	vld [tilespmem:s2+$0x0]  }
0x81: {  	v9 =	vshll.u32 v9, $0x4;
	v14 =	vld [tilespmem:s2+$0x10]  }
0x82: {  	v9 =	vor.u32 v1, v9;
	v10 =	vshll.u32 v10, $0x4;
	v15 =	vld [tilespmem:s2+$0x20]  }
0x83: {  	v16 =	vld [tilespmem:s5+$0xFFFFFFD0];
	v10 =	vor.u32 v1, v10;
	v11 =	vshll.u32 v11, $0x4  }
0x84: {  	v17 =	vld [tilespmem:s5+$0xFFFFFFE0];
	v11 =	vor.u32 v1, v11;
	v12 =	vshll.u32 v12, $0x4  }
0x85: {  	v18 =	vld [tilespmem:s5+$0xFFFFFFF0];
	v12 =	vor.u32 v1, v12;
	v13 =	vshll.u32 v13, $0x4  }
0x86: {  	v19 =	vld [tilespmem:s5+$0x0];
	v13 =	vor.u32 v1, v13;
	v14 =	vshll.u32 v14, $0x4  }
0x87: {  	v20 =	vld [tilespmem:s5+$0x10];
	v14 =	vor.u32 v1, v14;
	v15 =	vshll.u32 v15, $0x4  }
0x88: {  	v4 =	vmul.f32 v4, v16;
	v16 =	vld [tilespmem:s5+$0x20];
	v15 =	vor.u32 v1, v15  }
0x89: {  	v21 =	vld [tilespmem:s5+$0xFFFFFFC0];
	v5 =	vmul.f32 v5, v17  }
0x8a: {  	[tilespmem:v10+s0+$0x0] =	vst.idx.add.f32.msk $0xffff, v4;
	v4 =	vmul.f32 v6, v18  }
0x8b: {  	[tilespmem:v11+s0+$0x0] =	vst.idx.add.f32.msk $0xffff, v5;
	v5 =	vmul.f32 v8, v19  }
.Ltmp1:
0x8c: {  	[tilespmem:v12+s0+$0x0] =	vst.idx.add.f32.msk $0xffff, v4;
	v2 =	vmul.f32 v2, v20;
	(pc) =	sbr.rel @p0 .LBB2_4-.Ltmp1, $4  }
0x8d: {  	[tilespmem:v13+s0+$0x0] =	vst.idx.add.f32.msk $0xffff, v5;
	v4 =	vmul.f32 v7, v16  }
0x8e: {  	v3 =	vmul.f32 v3, v21;
	[tilespmem:v14+s0+$0x0] =	vst.idx.add.f32.msk $0xffff, v2  }
0x8f: {  	[tilespmem:v15+s0+$0x0] =	vst.idx.add.f32.msk $0xffff, v4  }
0x90: {  	s7 =	sadd.s32 $0x80, s7;
	[tilespmem:v9+s0+$0x0] =	vst.idx.add.f32.msk $0xffff, v3  }
0x91: {  	_ =	swait.ge [sflag:s3], $0x4000  }
0x92: {  	[sflag:s3] =	ssyncset.done $0x0  }
0x93: {  	[sflag:s3] =	ssyncadd.s32 $0xFFFFC000  }
0x94: {  	_ =	swait.ge [sflag:s3], $0x4000  }
0x95: {  	[sflag:s3] =	ssyncset.done $0x0  }
0x96: {  	[sflag:s3] =	ssyncadd.s32 $0xFFFFC000  }
0x97: {  	_ =	swait.ge [sflag:s3], $0x4000  }
0x98: {  	[sflag:s3] =	ssyncset.done $0x0  }
0x99: {  	[sflag:s3] =	ssyncadd.s32 $0xFFFFC000  }
0x9a: {  	[tilespmem:s24], [sflag:$0x1] =	stream.linear.gather [hbm4b:s13+s4], $0x4000, $0x38;
	[tilespmem:$0x1DA00] =	vst v63  }
0x9b: {  	_ = 	snop  }
0x9c: {  	[tilespmem:s25], [sflag:$0x1] =	stream.linear.gather [hbm4b:s14+s4], $0x4000, $0x38;
	[tilespmem:$0x1DA00] =	vst v63  }
0x9d: {  	s6 =	simm.s32 $0x10140  }
0x9e: {  	[tilespmem:s26], [sflag:$0x1] =	stream.linear.gather [hbm4b:s15+s4], $0x4000, $0x38;
	[tilespmem:$0x1DA00] =	vst v63  }
0x9f: {  	v2 =	vld [tilespmem:s6+$0x30]  }
0xa0: {  	v3 =	vld [tilespmem:s6+$0xFFFFFFC0]  }
0xa1: {  	v4 =	vld [tilespmem:s6+$0xFFFFFFD0]  }
0xa2: {  	v5 =	vld [tilespmem:s6+$0xFFFFFFE0]  }
0xa3: {  	s2 =	simm.s32 $0x18140;
	v6 =	vld [tilespmem:s6+$0xFFFFFFF0]  }
0xa4: {  	v7 =	vld [tilespmem:s2+$0x30]  }
0xa5: {  	v8 =	vld [tilespmem:s6+$0x0]  }
0xa6: {  	s5 =	simm.s32 $0x8140;
	v9 =	vld [tilespmem:s6+$0x10]  }
0xa7: {  	v10 =	vld [tilespmem:s5+$0x30]  }
0xa8: {  	v11 =	vld [tilespmem:s6+$0x20]  }
0xa9: {  	v56 =	vld [tilespmem:s2+$0xFFFFFFC0]  }
0xaa: {  	v57 =	vld [tilespmem:s2+$0xFFFFFFD0]  }
0xab: {  	v58 =	vld [tilespmem:s2+$0xFFFFFFE0]  }
0xac: {  	v12 =	vld [tilespmem:s2+$0xFFFFFFF0]  }
0xad: {  	v13 =	vld [tilespmem:s2+$0x0]  }
0xae: {  	v14 =	vld [tilespmem:s2+$0x10]  }
0xaf: {  	v15 =	vld [tilespmem:s2+$0x20]  }
0xb0: {  	v16 =	vld [tilespmem:s5+$0xFFFFFFD0]  }
0xb1: {  	v17 =	vld [tilespmem:s5+$0xFFFFFFE0]  }
0xb2: {  	v18 =	vld [tilespmem:s5+$0xFFFFFFF0]  }
0xb3: {  	v19 =	vld [tilespmem:s5+$0x0]  }
0xb4: {  	v20 =	vld [tilespmem:s5+$0x10]  }
0xb5: {  	v59 =	vld [tilespmem:s5+$0x20]  }
0xb6: {  	v21 =	vld [tilespmem:s5+$0xFFFFFFC0]  }
0xb7: {  	v2 =	vld.idx.msk [tilespmem:v2+s4+$0x0], $0xffff  }
0xb8: {  	v7 =	vshll.u32 v7, $0x4;
	v5 =	vld.idx.msk [tilespmem:v5+s4+$0x0], $0xffff  }
0xb9: {  	v7 =	vor.u32 v1, v7;
	v6 =	vld.idx.msk [tilespmem:v6+s4+$0x0], $0xffff  }
0xba: {  	v55 =	vld.idx.msk [tilespmem:v11+s4+$0x0], $0xffff;
	v11 =	vshll.u32 v58, $0x4  }
0xbb: {  	v12 =	vshll.u32 v12, $0x4;
	v8 =	vld.idx.msk [tilespmem:v8+s4+$0x0], $0xffff;
	v11 =	vor.u32 v1, v11  }
0xbc: {  	v13 =	vshll.u32 v13, $0x4;
	v12 =	vor.u32 v1, v12;
	v3 =	vld.idx.msk [tilespmem:v3+s4+$0x0], $0xffff;
	v2 =	vmul.f32 v2, v10  }
0xbd: {  	v15 =	vshll.u32 v15, $0x4;
	v13 =	vor.u32 v1, v13;
	v4 =	vld.idx.msk [tilespmem:v4+s4+$0x0], $0xffff  }
0xbe: {  	v15 =	vor.u32 v1, v15;
	v10 =	vshll.u32 v57, $0x4;
	v5 =	vmul.f32 v5, v17;
	[tilespmem:v7+s0+$0x0] =	vst.idx.add.f32.msk $0xffff, v2  }
0xbf: {  	v60 =	vmul.f32 v6, v18;
	v10 =	vor.u32 v1, v10;
	v2 =	vld.idx.msk [tilespmem:v9+s4+$0x0], $0xffff;
	v9 =	vshll.u32 v56, $0x4  }
0xc0: {  	v14 =	vshll.u32 v14, $0x4;
	v62 =	vmul.f32 v8, v19;
	[tilespmem:v11+s0+$0x0] =	vst.idx.add.f32.msk $0xffff, v5;
	v61 =	vor.u32 v1, v9  }
0xc1: {  	v14 =	vor.u32 v1, v14;
	v63 =	vmul.f32 v55, v59;
	[tilespmem:v12+s0+$0x0] =	vst.idx.add.f32.msk $0xffff, v60  }
0xc2: {  	v4 =	vmul.f32 v4, v16;
	[tilespmem:v13+s0+$0x0] =	vst.idx.add.f32.msk $0xffff, v62  }
0xc3: {  	v3 =	vmul.f32 v3, v21;
	[tilespmem:v15+s0+$0x0] =	vst.idx.add.f32.msk $0xffff, v63  }
0xc4: {  	[tilespmem:v10+s0+$0x0] =	vst.idx.add.f32.msk $0xffff, v4;
	v2 =	vmul.f32 v2, v20  }
0xc5: {  	[tilespmem:v61+s0+$0x0] =	vst.idx.add.f32.msk $0xffff, v3  }
0xc6: {  	s7 =	simm.s32 $0x101C0;
	s6 =	simm.s32 $0x0;
	[tilespmem:v14+s0+$0x0] =	vst.idx.add.f32.msk $0xffff, v2  }
.LBB2_6:
0xc7: {  	v2 =	vld [tilespmem:s7+$0x30];
	s6 =	sadd.s32 $0x80, s6  }
0xc8: {  	v3 =	vld [tilespmem:s7+$0xFFFFFFC0];
	p0 =	slt.u32 s6, $0x3F80  }
0xc9: {  	v4 =	vld [tilespmem:s7+$0xFFFFFFD0]  }
0xca: {  	v5 =	vld [tilespmem:s7+$0xFFFFFFE0]  }
0xcb: {  	s2 =	sadd.s32 $0x80, s2;
	v6 =	vld [tilespmem:s7+$0xFFFFFFF0]  }
0xcc: {  	v7 =	vld [tilespmem:s2+$0x30]  }
0xcd: {  	v8 =	vld [tilespmem:s7+$0x0]  }
0xce: {  	v9 =	vld [tilespmem:s7+$0x10]  }
0xcf: {  	s5 =	sadd.s32 $0x80, s5;
	v2 =	vld.idx.msk [tilespmem:v2+s4+$0x0], $0xffff  }
0xd0: {  	v10 =	vld [tilespmem:s5+$0x30]  }
0xd1: {  	v11 =	vld [tilespmem:s7+$0x20];
	v7 =	vshll.u32 v7, $0x4  }
0xd2: {  	v3 =	vld.idx.msk [tilespmem:v3+s4+$0x0], $0xffff;
	v7 =	vor.u32 v1, v7  }
0xd3: {  	v4 =	vld.idx.msk [tilespmem:v4+s4+$0x0], $0xffff  }
0xd4: {  	v5 =	vld.idx.msk [tilespmem:v5+s4+$0x0], $0xffff  }
0xd5: {  	v6 =	vld.idx.msk [tilespmem:v6+s4+$0x0], $0xffff;
	v2 =	vmul.f32 v2, v10  }
0xd6: {  	v8 =	vld.idx.msk [tilespmem:v8+s4+$0x0], $0xffff  }
0xd7: {  	[tilespmem:v7+s0+$0x0] =	vst.idx.add.f32.msk $0xffff, v2  }
0xd8: {  	v2 =	vld.idx.msk [tilespmem:v9+s4+$0x0], $0xffff  }
0xd9: {  	v7 =	vld.idx.msk [tilespmem:v11+s4+$0x0], $0xffff  }
0xda: {  	v9 =	vld [tilespmem:s2+$0xFFFFFFC0]  }
0xdb: {  	v10 =	vld [tilespmem:s2+$0xFFFFFFD0]  }
0xdc: {  	v11 =	vld [tilespmem:s2+$0xFFFFFFE0]  }
0xdd: {  	v12 =	vld [tilespmem:s2+$0xFFFFFFF0]  }
0xde: {  	v13 =	vld [tilespmem:s2+$0x0]  }
0xdf: {  	v9 =	vshll.u32 v9, $0x4;
	v14 =	vld [tilespmem:s2+$0x10]  }
0xe0: {  	v9 =	vor.u32 v1, v9;
	v10 =	vshll.u32 v10, $0x4;
	v15 =	vld [tilespmem:s2+$0x20]  }
0xe1: {  	v16 =	vld [tilespmem:s5+$0xFFFFFFD0];
	v10 =	vor.u32 v1, v10;
	v11 =	vshll.u32 v11, $0x4  }
0xe2: {  	v17 =	vld [tilespmem:s5+$0xFFFFFFE0];
	v11 =	vor.u32 v1, v11;
	v12 =	vshll.u32 v12, $0x4  }
0xe3: {  	v18 =	vld [tilespmem:s5+$0xFFFFFFF0];
	v12 =	vor.u32 v1, v12;
	v13 =	vshll.u32 v13, $0x4  }
0xe4: {  	v19 =	vld [tilespmem:s5+$0x0];
	v13 =	vor.u32 v1, v13;
	v14 =	vshll.u32 v14, $0x4  }
0xe5: {  	v20 =	vld [tilespmem:s5+$0x10];
	v14 =	vor.u32 v1, v14;
	v15 =	vshll.u32 v15, $0x4  }
0xe6: {  	v4 =	vmul.f32 v4, v16;
	v16 =	vld [tilespmem:s5+$0x20];
	v15 =	vor.u32 v1, v15  }
0xe7: {  	v21 =	vld [tilespmem:s5+$0xFFFFFFC0];
	v5 =	vmul.f32 v5, v17  }
0xe8: {  	[tilespmem:v10+s0+$0x0] =	vst.idx.add.f32.msk $0xffff, v4;
	v4 =	vmul.f32 v6, v18  }
0xe9: {  	[tilespmem:v11+s0+$0x0] =	vst.idx.add.f32.msk $0xffff, v5;
	v5 =	vmul.f32 v8, v19  }
.Ltmp2:
0xea: {  	[tilespmem:v12+s0+$0x0] =	vst.idx.add.f32.msk $0xffff, v4;
	v2 =	vmul.f32 v2, v20;
	(pc) =	sbr.rel @p0 .LBB2_6-.Ltmp2, $4  }
0xeb: {  	[tilespmem:v13+s0+$0x0] =	vst.idx.add.f32.msk $0xffff, v5;
	v4 =	vmul.f32 v7, v16  }
0xec: {  	v3 =	vmul.f32 v3, v21;
	[tilespmem:v14+s0+$0x0] =	vst.idx.add.f32.msk $0xffff, v2  }
0xed: {  	[tilespmem:v15+s0+$0x0] =	vst.idx.add.f32.msk $0xffff, v4  }
0xee: {  	s7 =	sadd.s32 $0x80, s7;
	[tilespmem:v9+s0+$0x0] =	vst.idx.add.f32.msk $0xffff, v3  }
0xef: {  	_ =	swait.ge [sflag:s28], $0x4000  }
0xf0: {  	[sflag:s28] =	ssyncset.done $0x0  }
0xf1: {  	[sflag:s28] =	ssyncadd.s32 $0xFFFFC000  }
0xf2: {  	_ =	swait.ge [sflag:s28], $0x4000  }
0xf3: {  	[sflag:s28] =	ssyncset.done $0x0  }
0xf4: {  	[sflag:s28] =	ssyncadd.s32 $0xFFFFC000  }
0xf5: {  	_ =	swait.ge [sflag:s28], $0x4000  }
0xf6: {  	[sflag:s28] =	ssyncset.done $0x0  }
0xf7: {  	[sflag:s28] =	ssyncadd.s32 $0xFFFFC000  }
0xf8: {  	[tilespmem:s29], [sflag:$0x2] =	stream.linear.gather [hbm4b:s16+s4], $0x380, $0x38;
	[tilespmem:$0x1DA00] =	vst v63  }
0xf9: {  	_ = 	snop  }
0xfa: {  	[tilespmem:s30], [sflag:$0x2] =	stream.linear.gather [hbm4b:s17+s4], $0x380, $0x38;
	[tilespmem:$0x1DA00] =	vst v63  }
0xfb: {  	s6 =	simm.s32 $0xC140  }
0xfc: {  	[tilespmem:s31], [sflag:$0x2] =	stream.linear.gather [hbm4b:s18+s4], $0x380, $0x38;
	[tilespmem:$0x1DA00] =	vst v63  }
0xfd: {  	v2 =	vld [tilespmem:s6+$0x30]  }
0xfe: {  	v3 =	vld [tilespmem:s6+$0xFFFFFFC0]  }
0xff: {  	v4 =	vld [tilespmem:s6+$0xFFFFFFD0]  }
0x100: {  	v5 =	vld [tilespmem:s6+$0xFFFFFFE0]  }
0x101: {  	s2 =	simm.s32 $0x14140;
	v6 =	vld [tilespmem:s6+$0xFFFFFFF0]  }
0x102: {  	v7 =	vld [tilespmem:s2+$0x30]  }
0x103: {  	v8 =	vld [tilespmem:s6+$0x0]  }
0x104: {  	s5 =	simm.s32 $0x4140;
	v9 =	vld [tilespmem:s6+$0x10]  }
0x105: {  	v10 =	vld [tilespmem:s5+$0x30]  }
0x106: {  	v11 =	vld [tilespmem:s6+$0x20]  }
0x107: {  	v56 =	vld [tilespmem:s2+$0xFFFFFFC0]  }
0x108: {  	v57 =	vld [tilespmem:s2+$0xFFFFFFD0]  }
0x109: {  	v58 =	vld [tilespmem:s2+$0xFFFFFFE0]  }
0x10a: {  	v12 =	vld [tilespmem:s2+$0xFFFFFFF0]  }
0x10b: {  	v13 =	vld [tilespmem:s2+$0x0]  }
0x10c: {  	v14 =	vld [tilespmem:s2+$0x10]  }
0x10d: {  	v15 =	vld [tilespmem:s2+$0x20]  }
0x10e: {  	v16 =	vld [tilespmem:s5+$0xFFFFFFD0]  }
0x10f: {  	v17 =	vld [tilespmem:s5+$0xFFFFFFE0]  }
0x110: {  	v18 =	vld [tilespmem:s5+$0xFFFFFFF0]  }
0x111: {  	v19 =	vld [tilespmem:s5+$0x0]  }
0x112: {  	v20 =	vld [tilespmem:s5+$0x10]  }
0x113: {  	v59 =	vld [tilespmem:s5+$0x20]  }
0x114: {  	v21 =	vld [tilespmem:s5+$0xFFFFFFC0]  }
0x115: {  	v2 =	vld.idx.msk [tilespmem:v2+s4+$0x0], $0xffff  }
0x116: {  	v7 =	vshll.u32 v7, $0x4;
	v5 =	vld.idx.msk [tilespmem:v5+s4+$0x0], $0xffff  }
0x117: {  	v7 =	vor.u32 v1, v7;
	v6 =	vld.idx.msk [tilespmem:v6+s4+$0x0], $0xffff  }
0x118: {  	v55 =	vld.idx.msk [tilespmem:v11+s4+$0x0], $0xffff;
	v11 =	vshll.u32 v58, $0x4  }
0x119: {  	v12 =	vshll.u32 v12, $0x4;
	v8 =	vld.idx.msk [tilespmem:v8+s4+$0x0], $0xffff;
	v11 =	vor.u32 v1, v11  }
0x11a: {  	v13 =	vshll.u32 v13, $0x4;
	v12 =	vor.u32 v1, v12;
	v3 =	vld.idx.msk [tilespmem:v3+s4+$0x0], $0xffff;
	v2 =	vmul.f32 v2, v10  }
0x11b: {  	v15 =	vshll.u32 v15, $0x4;
	v13 =	vor.u32 v1, v13;
	v4 =	vld.idx.msk [tilespmem:v4+s4+$0x0], $0xffff  }
0x11c: {  	v15 =	vor.u32 v1, v15;
	v10 =	vshll.u32 v57, $0x4;
	v5 =	vmul.f32 v5, v17;
	[tilespmem:v7+s0+$0x0] =	vst.idx.add.f32.msk $0xffff, v2  }
0x11d: {  	v60 =	vmul.f32 v6, v18;
	v10 =	vor.u32 v1, v10;
	v2 =	vld.idx.msk [tilespmem:v9+s4+$0x0], $0xffff;
	v9 =	vshll.u32 v56, $0x4  }
0x11e: {  	v14 =	vshll.u32 v14, $0x4;
	v62 =	vmul.f32 v8, v19;
	[tilespmem:v11+s0+$0x0] =	vst.idx.add.f32.msk $0xffff, v5;
	v61 =	vor.u32 v1, v9  }
0x11f: {  	v14 =	vor.u32 v1, v14;
	v63 =	vmul.f32 v55, v59;
	[tilespmem:v12+s0+$0x0] =	vst.idx.add.f32.msk $0xffff, v60  }
0x120: {  	v4 =	vmul.f32 v4, v16;
	[tilespmem:v13+s0+$0x0] =	vst.idx.add.f32.msk $0xffff, v62  }
0x121: {  	v3 =	vmul.f32 v3, v21;
	[tilespmem:v15+s0+$0x0] =	vst.idx.add.f32.msk $0xffff, v63  }
0x122: {  	[tilespmem:v10+s0+$0x0] =	vst.idx.add.f32.msk $0xffff, v4;
	v2 =	vmul.f32 v2, v20  }
0x123: {  	[tilespmem:v61+s0+$0x0] =	vst.idx.add.f32.msk $0xffff, v3  }
0x124: {  	s7 =	simm.s32 $0xC1C0;
	s6 =	simm.s32 $0x0;
	[tilespmem:v14+s0+$0x0] =	vst.idx.add.f32.msk $0xffff, v2  }
.LBB2_8:
0x125: {  	v2 =	vld [tilespmem:s7+$0x30];
	s6 =	sadd.s32 $0x80, s6  }
0x126: {  	v3 =	vld [tilespmem:s7+$0xFFFFFFC0];
	p0 =	slt.u32 s6, $0x3F80  }
0x127: {  	v4 =	vld [tilespmem:s7+$0xFFFFFFD0]  }
0x128: {  	v5 =	vld [tilespmem:s7+$0xFFFFFFE0]  }
0x129: {  	s2 =	sadd.s32 $0x80, s2;
	v6 =	vld [tilespmem:s7+$0xFFFFFFF0]  }
0x12a: {  	v7 =	vld [tilespmem:s2+$0x30]  }
0x12b: {  	v8 =	vld [tilespmem:s7+$0x0]  }
0x12c: {  	v9 =	vld [tilespmem:s7+$0x10]  }
0x12d: {  	s5 =	sadd.s32 $0x80, s5;
	v2 =	vld.idx.msk [tilespmem:v2+s4+$0x0], $0xffff  }
0x12e: {  	v10 =	vld [tilespmem:s5+$0x30]  }
0x12f: {  	v11 =	vld [tilespmem:s7+$0x20];
	v7 =	vshll.u32 v7, $0x4  }
0x130: {  	v3 =	vld.idx.msk [tilespmem:v3+s4+$0x0], $0xffff;
	v7 =	vor.u32 v1, v7  }
0x131: {  	v4 =	vld.idx.msk [tilespmem:v4+s4+$0x0], $0xffff  }
0x132: {  	v5 =	vld.idx.msk [tilespmem:v5+s4+$0x0], $0xffff  }
0x133: {  	v6 =	vld.idx.msk [tilespmem:v6+s4+$0x0], $0xffff;
	v2 =	vmul.f32 v2, v10  }
0x134: {  	v8 =	vld.idx.msk [tilespmem:v8+s4+$0x0], $0xffff  }
0x135: {  	[tilespmem:v7+s0+$0x0] =	vst.idx.add.f32.msk $0xffff, v2  }
0x136: {  	v2 =	vld.idx.msk [tilespmem:v9+s4+$0x0], $0xffff  }
0x137: {  	v7 =	vld.idx.msk [tilespmem:v11+s4+$0x0], $0xffff  }
0x138: {  	v9 =	vld [tilespmem:s2+$0xFFFFFFC0]  }
0x139: {  	v10 =	vld [tilespmem:s2+$0xFFFFFFD0]  }
0x13a: {  	v11 =	vld [tilespmem:s2+$0xFFFFFFE0]  }
0x13b: {  	v12 =	vld [tilespmem:s2+$0xFFFFFFF0]  }
0x13c: {  	v13 =	vld [tilespmem:s2+$0x0]  }
0x13d: {  	v9 =	vshll.u32 v9, $0x4;
	v14 =	vld [tilespmem:s2+$0x10]  }
0x13e: {  	v9 =	vor.u32 v1, v9;
	v10 =	vshll.u32 v10, $0x4;
	v15 =	vld [tilespmem:s2+$0x20]  }
0x13f: {  	v16 =	vld [tilespmem:s5+$0xFFFFFFD0];
	v10 =	vor.u32 v1, v10;
	v11 =	vshll.u32 v11, $0x4  }
0x140: {  	v17 =	vld [tilespmem:s5+$0xFFFFFFE0];
	v11 =	vor.u32 v1, v11;
	v12 =	vshll.u32 v12, $0x4  }
0x141: {  	v18 =	vld [tilespmem:s5+$0xFFFFFFF0];
	v12 =	vor.u32 v1, v12;
	v13 =	vshll.u32 v13, $0x4  }
0x142: {  	v19 =	vld [tilespmem:s5+$0x0];
	v13 =	vor.u32 v1, v13;
	v14 =	vshll.u32 v14, $0x4  }
0x143: {  	v20 =	vld [tilespmem:s5+$0x10];
	v14 =	vor.u32 v1, v14;
	v15 =	vshll.u32 v15, $0x4  }
0x144: {  	v4 =	vmul.f32 v4, v16;
	v16 =	vld [tilespmem:s5+$0x20];
	v15 =	vor.u32 v1, v15  }
0x145: {  	v21 =	vld [tilespmem:s5+$0xFFFFFFC0];
	v5 =	vmul.f32 v5, v17  }
0x146: {  	[tilespmem:v10+s0+$0x0] =	vst.idx.add.f32.msk $0xffff, v4;
	v4 =	vmul.f32 v6, v18  }
0x147: {  	[tilespmem:v11+s0+$0x0] =	vst.idx.add.f32.msk $0xffff, v5;
	v5 =	vmul.f32 v8, v19  }
.Ltmp3:
0x148: {  	[tilespmem:v12+s0+$0x0] =	vst.idx.add.f32.msk $0xffff, v4;
	v2 =	vmul.f32 v2, v20;
	(pc) =	sbr.rel @p0 .LBB2_8-.Ltmp3, $4  }
0x149: {  	[tilespmem:v13+s0+$0x0] =	vst.idx.add.f32.msk $0xffff, v5;
	v4 =	vmul.f32 v7, v16  }
0x14a: {  	v3 =	vmul.f32 v3, v21;
	[tilespmem:v14+s0+$0x0] =	vst.idx.add.f32.msk $0xffff, v2  }
0x14b: {  	[tilespmem:v15+s0+$0x0] =	vst.idx.add.f32.msk $0xffff, v4  }
0x14c: {  	s7 =	sadd.s32 $0x80, s7;
	[tilespmem:v9+s0+$0x0] =	vst.idx.add.f32.msk $0xffff, v3  }
0x14d: {  	_ =	swait.ge [sflag:s3], $0x380  }
0x14e: {  	[sflag:s3] =	ssyncset.done $0x0  }
0x14f: {  	[sflag:s3] =	ssyncadd.s32 $0xFFFFFC80  }
0x150: {  	_ =	swait.ge [sflag:s3], $0x380  }
0x151: {  	[sflag:s3] =	ssyncset.done $0x0  }
0x152: {  	[sflag:s3] =	ssyncadd.s32 $0xFFFFFC80  }
0x153: {  	_ =	swait.ge [sflag:s3], $0x380  }
0x154: {  	[sflag:s3] =	ssyncset.done $0x0  }
0x155: {  	s6 =	simm.s32 $0x10140;
	[sflag:s3] =	ssyncadd.s32 $0xFFFFFC80  }
0x156: {  	v2 =	vld [tilespmem:s6+$0x30]  }
0x157: {  	v3 =	vld [tilespmem:s6+$0xFFFFFFC0]  }
0x158: {  	v4 =	vld [tilespmem:s6+$0xFFFFFFD0]  }
0x159: {  	v5 =	vld [tilespmem:s6+$0xFFFFFFE0]  }
0x15a: {  	s2 =	simm.s32 $0x18140;
	v6 =	vld [tilespmem:s6+$0xFFFFFFF0]  }
0x15b: {  	v7 =	vld [tilespmem:s2+$0x30]  }
0x15c: {  	v8 =	vld [tilespmem:s6+$0x0]  }
0x15d: {  	s5 =	simm.s32 $0x8140;
	v9 =	vld [tilespmem:s6+$0x10]  }
0x15e: {  	v10 =	vld [tilespmem:s5+$0x30]  }
0x15f: {  	v11 =	vld [tilespmem:s6+$0x20]  }
0x160: {  	v56 =	vld [tilespmem:s2+$0xFFFFFFC0]  }
0x161: {  	v57 =	vld [tilespmem:s2+$0xFFFFFFD0]  }
0x162: {  	v58 =	vld [tilespmem:s2+$0xFFFFFFE0]  }
0x163: {  	v12 =	vld [tilespmem:s2+$0xFFFFFFF0]  }
0x164: {  	v13 =	vld [tilespmem:s2+$0x0]  }
0x165: {  	v14 =	vld [tilespmem:s2+$0x10]  }
0x166: {  	v15 =	vld [tilespmem:s2+$0x20]  }
0x167: {  	v16 =	vld [tilespmem:s5+$0xFFFFFFD0]  }
0x168: {  	v17 =	vld [tilespmem:s5+$0xFFFFFFE0]  }
0x169: {  	v18 =	vld [tilespmem:s5+$0xFFFFFFF0]  }
0x16a: {  	v19 =	vld [tilespmem:s5+$0x0]  }
0x16b: {  	v20 =	vld [tilespmem:s5+$0x10]  }
0x16c: {  	v59 =	vld [tilespmem:s5+$0x20]  }
0x16d: {  	v21 =	vld [tilespmem:s5+$0xFFFFFFC0]  }
0x16e: {  	v2 =	vld.idx.msk [tilespmem:v2+s4+$0x0], $0xffff  }
0x16f: {  	v7 =	vshll.u32 v7, $0x4;
	v5 =	vld.idx.msk [tilespmem:v5+s4+$0x0], $0xffff  }
0x170: {  	v7 =	vor.u32 v1, v7;
	v6 =	vld.idx.msk [tilespmem:v6+s4+$0x0], $0xffff  }
0x171: {  	v55 =	vld.idx.msk [tilespmem:v11+s4+$0x0], $0xffff;
	v11 =	vshll.u32 v58, $0x4  }
0x172: {  	v12 =	vshll.u32 v12, $0x4;
	v8 =	vld.idx.msk [tilespmem:v8+s4+$0x0], $0xffff;
	v11 =	vor.u32 v1, v11  }
0x173: {  	v13 =	vshll.u32 v13, $0x4;
	v12 =	vor.u32 v1, v12;
	v3 =	vld.idx.msk [tilespmem:v3+s4+$0x0], $0xffff;
	v2 =	vmul.f32 v2, v10  }
0x174: {  	v15 =	vshll.u32 v15, $0x4;
	v13 =	vor.u32 v1, v13;
	v4 =	vld.idx.msk [tilespmem:v4+s4+$0x0], $0xffff  }
0x175: {  	v15 =	vor.u32 v1, v15;
	v10 =	vshll.u32 v57, $0x4;
	v5 =	vmul.f32 v5, v17;
	[tilespmem:v7+s0+$0x0] =	vst.idx.add.f32.msk $0xffff, v2  }
0x176: {  	v60 =	vmul.f32 v6, v18;
	v10 =	vor.u32 v1, v10;
	v2 =	vld.idx.msk [tilespmem:v9+s4+$0x0], $0xffff;
	v9 =	vshll.u32 v56, $0x4  }
0x177: {  	v14 =	vshll.u32 v14, $0x4;
	v62 =	vmul.f32 v8, v19;
	[tilespmem:v11+s0+$0x0] =	vst.idx.add.f32.msk $0xffff, v5;
	v61 =	vor.u32 v1, v9  }
0x178: {  	v14 =	vor.u32 v1, v14;
	v63 =	vmul.f32 v55, v59;
	[tilespmem:v12+s0+$0x0] =	vst.idx.add.f32.msk $0xffff, v60  }
0x179: {  	v4 =	vmul.f32 v4, v16;
	[tilespmem:v13+s0+$0x0] =	vst.idx.add.f32.msk $0xffff, v62  }
0x17a: {  	v3 =	vmul.f32 v3, v21;
	[tilespmem:v15+s0+$0x0] =	vst.idx.add.f32.msk $0xffff, v63  }
0x17b: {  	[tilespmem:v10+s0+$0x0] =	vst.idx.add.f32.msk $0xffff, v4;
	v2 =	vmul.f32 v2, v20  }
0x17c: {  	[tilespmem:v61+s0+$0x0] =	vst.idx.add.f32.msk $0xffff, v3  }
0x17d: {  	s7 =	simm.s32 $0x101C0;
	s6 =	simm.s32 $0x0;
	[tilespmem:v14+s0+$0x0] =	vst.idx.add.f32.msk $0xffff, v2  }
.LBB2_10:
0x17e: {  	v2 =	vld [tilespmem:s7+$0x30];
	s6 =	sadd.s32 $0x80, s6  }
0x17f: {  	v3 =	vld [tilespmem:s7+$0xFFFFFFC0];
	p0 =	slt.u32 s6, $0x300  }
0x180: {  	v4 =	vld [tilespmem:s7+$0xFFFFFFD0]  }
0x181: {  	v5 =	vld [tilespmem:s7+$0xFFFFFFE0]  }
0x182: {  	s2 =	sadd.s32 $0x80, s2;
	v6 =	vld [tilespmem:s7+$0xFFFFFFF0]  }
0x183: {  	v7 =	vld [tilespmem:s2+$0x30]  }
0x184: {  	v8 =	vld [tilespmem:s7+$0x0]  }
0x185: {  	v9 =	vld [tilespmem:s7+$0x10]  }
0x186: {  	s5 =	sadd.s32 $0x80, s5;
	v2 =	vld.idx.msk [tilespmem:v2+s4+$0x0], $0xffff  }
0x187: {  	v10 =	vld [tilespmem:s5+$0x30]  }
0x188: {  	v11 =	vld [tilespmem:s7+$0x20];
	v7 =	vshll.u32 v7, $0x4  }
0x189: {  	v3 =	vld.idx.msk [tilespmem:v3+s4+$0x0], $0xffff;
	v7 =	vor.u32 v1, v7  }
0x18a: {  	v4 =	vld.idx.msk [tilespmem:v4+s4+$0x0], $0xffff  }
0x18b: {  	v5 =	vld.idx.msk [tilespmem:v5+s4+$0x0], $0xffff  }
0x18c: {  	v6 =	vld.idx.msk [tilespmem:v6+s4+$0x0], $0xffff;
	v2 =	vmul.f32 v2, v10  }
0x18d: {  	v8 =	vld.idx.msk [tilespmem:v8+s4+$0x0], $0xffff  }
0x18e: {  	[tilespmem:v7+s0+$0x0] =	vst.idx.add.f32.msk $0xffff, v2  }
0x18f: {  	v2 =	vld.idx.msk [tilespmem:v9+s4+$0x0], $0xffff  }
0x190: {  	v7 =	vld.idx.msk [tilespmem:v11+s4+$0x0], $0xffff  }
0x191: {  	v9 =	vld [tilespmem:s2+$0xFFFFFFC0]  }
0x192: {  	v10 =	vld [tilespmem:s2+$0xFFFFFFD0]  }
0x193: {  	v11 =	vld [tilespmem:s2+$0xFFFFFFE0]  }
0x194: {  	v12 =	vld [tilespmem:s2+$0xFFFFFFF0]  }
0x195: {  	v13 =	vld [tilespmem:s2+$0x0]  }
0x196: {  	v9 =	vshll.u32 v9, $0x4;
	v14 =	vld [tilespmem:s2+$0x10]  }
0x197: {  	v9 =	vor.u32 v1, v9;
	v10 =	vshll.u32 v10, $0x4;
	v15 =	vld [tilespmem:s2+$0x20]  }
0x198: {  	v16 =	vld [tilespmem:s5+$0xFFFFFFD0];
	v10 =	vor.u32 v1, v10;
	v11 =	vshll.u32 v11, $0x4  }
0x199: {  	v17 =	vld [tilespmem:s5+$0xFFFFFFE0];
	v11 =	vor.u32 v1, v11;
	v12 =	vshll.u32 v12, $0x4  }
0x19a: {  	v18 =	vld [tilespmem:s5+$0xFFFFFFF0];
	v12 =	vor.u32 v1, v12;
	v13 =	vshll.u32 v13, $0x4  }
0x19b: {  	v19 =	vld [tilespmem:s5+$0x0];
	v13 =	vor.u32 v1, v13;
	v14 =	vshll.u32 v14, $0x4  }
0x19c: {  	v20 =	vld [tilespmem:s5+$0x10];
	v14 =	vor.u32 v1, v14;
	v15 =	vshll.u32 v15, $0x4  }
0x19d: {  	v4 =	vmul.f32 v4, v16;
	v16 =	vld [tilespmem:s5+$0x20];
	v15 =	vor.u32 v1, v15  }
0x19e: {  	v21 =	vld [tilespmem:s5+$0xFFFFFFC0];
	v5 =	vmul.f32 v5, v17  }
0x19f: {  	[tilespmem:v10+s0+$0x0] =	vst.idx.add.f32.msk $0xffff, v4;
	v4 =	vmul.f32 v6, v18  }
0x1a0: {  	[tilespmem:v11+s0+$0x0] =	vst.idx.add.f32.msk $0xffff, v5;
	v5 =	vmul.f32 v8, v19  }
.Ltmp4:
0x1a1: {  	[tilespmem:v12+s0+$0x0] =	vst.idx.add.f32.msk $0xffff, v4;
	v2 =	vmul.f32 v2, v20;
	(pc) =	sbr.rel @p0 .LBB2_10-.Ltmp4, $4  }
0x1a2: {  	[tilespmem:v13+s0+$0x0] =	vst.idx.add.f32.msk $0xffff, v5;
	v4 =	vmul.f32 v7, v16  }
0x1a3: {  	v3 =	vmul.f32 v3, v21;
	[tilespmem:v14+s0+$0x0] =	vst.idx.add.f32.msk $0xffff, v2  }
0x1a4: {  	[tilespmem:v15+s0+$0x0] =	vst.idx.add.f32.msk $0xffff, v4  }
0x1a5: {  	s7 =	sadd.s32 $0x80, s7;
	[tilespmem:v9+s0+$0x0] =	vst.idx.add.f32.msk $0xffff, v3  }
0x1a6: {  	_ =	swait.ge [sflag:s1], $0xC80  }
0x1a7: {  	[sflag:s1] =	ssyncset.done $0x0  }
0x1a8: {  	[sflag:s1] =	ssyncadd.s32 $0xFFFFF380  }
0x1a9: {  	_ =	swait.ge [sflag:s1], $0xC80  }
0x1aa: {  	[sflag:s1] =	ssyncset.done $0x0  }
0x1ab: {  	[sflag:s1] =	ssyncadd.s32 $0xFFFFF380  }
0x1ac: {  	_ =	swait.ge [sflag:s1], $0x80  }
0x1ad: {  	[sflag:s1] =	ssyncset.done $0x0  }
0x1ae: {  	[sflag:s1] =	ssyncadd.s32 $0xFFFFFF80  }
0x1af: {  	_ =	swait.ge [sflag:s1], $0x80  }
0x1b0: {  	[sflag:s1] =	ssyncset.done $0x0  }
0x1b1: {  	s5 =	simm.s32 $0x1C140;
	[sflag:s1] =	ssyncadd.s32 $0xFFFFFF80  }
0x1b2: {  	v2 =	vld [tilespmem:s5+$0x30]  }
0x1b3: {  	v3 =	vld [tilespmem:s5+$0xFFFFFFD0]  }
0x1b4: {  	s2 =	simm.s32 $0x1CDC0;
	v4 =	vld [tilespmem:s5+$0xFFFFFFE0]  }
0x1b5: {  	v5 =	vld [tilespmem:s2+$0x30]  }
0x1b6: {  	v6 =	vld [tilespmem:s5+$0xFFFFFFF0]  }
0x1b7: {  	v7 =	vld [tilespmem:s5+$0x0]  }
0x1b8: {  	v8 =	vld [tilespmem:s5+$0x10]  }
0x1b9: {  	v9 =	vld [tilespmem:s5+$0x20]  }
0x1ba: {  	v10 =	vld [tilespmem:s5+$0xFFFFFFC0]  }
0x1bb: {  	v11 =	vld [tilespmem:s2+$0xFFFFFFC0]  }
0x1bc: {  	v12 =	vld [tilespmem:s2+$0xFFFFFFD0]  }
0x1bd: {  	v13 =	vld [tilespmem:s2+$0xFFFFFFE0]  }
0x1be: {  	v14 =	vld [tilespmem:s2+$0xFFFFFFF0]  }
0x1bf: {  	v62 =	vld [tilespmem:s2+$0x10];
	v5 =	vshll.u32 v5, $0x4  }
0x1c0: {  	v5 =	vor.u32 v1, v5;
	v2 =	vld.idx.msk [tilespmem:v2+s23+$0x0], $0xffff  }
0x1c1: {  	v15 =	vld [tilespmem:s2+$0x20]  }
0x1c2: {  	v10 =	vld.idx.msk [tilespmem:v10+s23+$0x0], $0xffff  }
0x1c3: {  	v3 =	vld.idx.msk [tilespmem:v3+s23+$0x0], $0xffff  }
0x1c4: {  	v4 =	vld.idx.msk [tilespmem:v4+s23+$0x0], $0xffff  }
0x1c5: {  	v11 =	vshll.u32 v11, $0x4;
	[tilespmem:v5+s0+$0x0] =	vst.idx.add.f32.msk $0xffff, v2  }
0x1c6: {  	v12 =	vshll.u32 v12, $0x4;
	v11 =	vor.u32 v1, v11;
	v2 =	vld [tilespmem:s2+$0x0]  }
0x1c7: {  	v13 =	vshll.u32 v13, $0x4;
	v12 =	vor.u32 v1, v12;
	v6 =	vld.idx.msk [tilespmem:v6+s23+$0x0], $0xffff  }
0x1c8: {  	v14 =	vshll.u32 v14, $0x4;
	v13 =	vor.u32 v1, v13;
	v7 =	vld.idx.msk [tilespmem:v7+s23+$0x0], $0xffff  }
0x1c9: {  	v15 =	vshll.u32 v15, $0x4;
	v14 =	vor.u32 v1, v14;
	v8 =	vld.idx.msk [tilespmem:v8+s23+$0x0], $0xffff  }
0x1ca: {  	v63 =	vor.u32 v1, v15;
	v9 =	vld.idx.msk [tilespmem:v9+s23+$0x0], $0xffff;
	v5 =	vshll.u32 v62, $0x4  }
0x1cb: {  	[tilespmem:v11+s0+$0x0] =	vst.idx.add.f32.msk $0xffff, v10;
	v5 =	vor.u32 v1, v5;
	v2 =	vshll.u32 v2, $0x4  }
0x1cc: {  	[tilespmem:v12+s0+$0x0] =	vst.idx.add.f32.msk $0xffff, v3;
	v2 =	vor.u32 v1, v2  }
0x1cd: {  	[tilespmem:v13+s0+$0x0] =	vst.idx.add.f32.msk $0xffff, v4  }
0x1ce: {  	[tilespmem:v14+s0+$0x0] =	vst.idx.add.f32.msk $0xffff, v6  }
0x1cf: {  	[tilespmem:v63+s0+$0x0] =	vst.idx.add.f32.msk $0xffff, v9  }
0x1d0: {  	[tilespmem:v5+s0+$0x0] =	vst.idx.add.f32.msk $0xffff, v8  }
0x1d1: {  	s6 =	simm.s32 $0x1C1C0;
	s5 =	simm.s32 $0x0;
	[tilespmem:v2+s0+$0x0] =	vst.idx.add.f32.msk $0xffff, v7  }
.LBB2_12:
0x1d2: {  	v2 =	vld [tilespmem:s6+$0x30];
	s5 =	sadd.s32 $0x80, s5  }
0x1d3: {  	v3 =	vld [tilespmem:s6+$0xFFFFFFD0];
	p0 =	slt.u32 s5, $0xC00  }
0x1d4: {  	s2 =	sadd.s32 $0x80, s2;
	v4 =	vld [tilespmem:s6+$0xFFFFFFE0]  }
0x1d5: {  	v5 =	vld [tilespmem:s2+$0x30]  }
0x1d6: {  	v6 =	vld [tilespmem:s6+$0xFFFFFFF0]  }
0x1d7: {  	v7 =	vld [tilespmem:s6+$0x0]  }
0x1d8: {  	v8 =	vld [tilespmem:s6+$0x10]  }
0x1d9: {  	v9 =	vld [tilespmem:s6+$0x20]  }
0x1da: {  	v2 =	vld.idx.msk [tilespmem:v2+s23+$0x0], $0xffff;
	v5 =	vshll.u32 v5, $0x4  }
0x1db: {  	v10 =	vld [tilespmem:s6+$0xFFFFFFC0];
	v5 =	vor.u32 v1, v5  }
0x1dc: {  	v11 =	vld [tilespmem:s2+$0xFFFFFFC0]  }
0x1dd: {  	v12 =	vld [tilespmem:s2+$0xFFFFFFD0]  }
0x1de: {  	v13 =	vld [tilespmem:s2+$0xFFFFFFE0]  }
0x1df: {  	v14 =	vld [tilespmem:s2+$0xFFFFFFF0]  }
0x1e0: {  	[tilespmem:v5+s0+$0x0] =	vst.idx.add.f32.msk $0xffff, v2  }
0x1e1: {  	v2 =	vshll.u32 v11, $0x4;
	v5 =	vld [tilespmem:s2+$0x0]  }
0x1e2: {  	v2 =	vor.u32 v1, v2;
	v11 =	vshll.u32 v12, $0x4;
	v12 =	vld [tilespmem:s2+$0x10]  }
0x1e3: {  	v11 =	vor.u32 v1, v11;
	v13 =	vshll.u32 v13, $0x4;
	v15 =	vld [tilespmem:s2+$0x20]  }
0x1e4: {  	v10 =	vld.idx.msk [tilespmem:v10+s23+$0x0], $0xffff;
	v13 =	vor.u32 v1, v13;
	v14 =	vshll.u32 v14, $0x4  }
0x1e5: {  	v3 =	vld.idx.msk [tilespmem:v3+s23+$0x0], $0xffff;
	v14 =	vor.u32 v1, v14  }
0x1e6: {  	v4 =	vld.idx.msk [tilespmem:v4+s23+$0x0], $0xffff;
	v5 =	vshll.u32 v5, $0x4  }
0x1e7: {  	v6 =	vld.idx.msk [tilespmem:v6+s23+$0x0], $0xffff;
	v5 =	vor.u32 v1, v5;
	v12 =	vshll.u32 v12, $0x4  }
0x1e8: {  	v7 =	vld.idx.msk [tilespmem:v7+s23+$0x0], $0xffff;
	v12 =	vor.u32 v1, v12;
	v15 =	vshll.u32 v15, $0x4  }
0x1e9: {  	v8 =	vld.idx.msk [tilespmem:v8+s23+$0x0], $0xffff;
	v15 =	vor.u32 v1, v15  }
0x1ea: {  	v9 =	vld.idx.msk [tilespmem:v9+s23+$0x0], $0xffff  }
0x1eb: {  	[tilespmem:v2+s0+$0x0] =	vst.idx.add.f32.msk $0xffff, v10  }
0x1ec: {  	[tilespmem:v11+s0+$0x0] =	vst.idx.add.f32.msk $0xffff, v3  }
.Ltmp5:
0x1ed: {  	[tilespmem:v13+s0+$0x0] =	vst.idx.add.f32.msk $0xffff, v4;
	(pc) =	sbr.rel @p0 .LBB2_12-.Ltmp5, $4  }
0x1ee: {  	[tilespmem:v14+s0+$0x0] =	vst.idx.add.f32.msk $0xffff, v6  }
0x1ef: {  	[tilespmem:v5+s0+$0x0] =	vst.idx.add.f32.msk $0xffff, v7  }
0x1f0: {  	[tilespmem:v12+s0+$0x0] =	vst.idx.add.f32.msk $0xffff, v8  }
0x1f1: {  	s6 =	sadd.s32 $0x80, s6;
	[tilespmem:v15+s0+$0x0] =	vst.idx.add.f32.msk $0xffff, v9  }
0x1f2: {  	s22 =	sadd.s32 $0x1, s22  }
0x1f3: {  	p0 =	sne.s32 s22, s20  }
.Ltmp6:
0x1f4: {  	s2 =	simm.s32 $0x400;
	(pc) =	sbr.rel @p0 .LBB2_1-.Ltmp6, $4  }
0x1f5: {  	[hbm4b:s19+s23] =	stream.strided.scatter [tilespmem:s0], [sflag:$0x4], $0x4000, s2, s23, $0x38;
	[tilespmem:$0x1DA00] =	vst v63  }
0x1f6: {  	_ =	swait.ge [sflag:s21], $0x4000  }
0x1f7: {  	[sflag:s21] =	ssyncset.done $0x0  }
0x1f8: {  	[sflag:s21] =	ssyncadd.s32 $0xFFFFC000  }
0x1f9: {  	_ =	sfence.sel $0x180000  }
0x1fa: {  	[bflag:$0x0] =	sbarrier.arrive $0xFFFF  }
0x1fb: {  	_ =	strace $0x90000047  }
0x1fc: {  	s0 =	stileid.u32;
	[bflag:$0x2] =	sbarrier.arrive $0xFFFF  }
0x1fd: {  	p0 =	sne.s32 s0, $0x0;
	s0 =	rddreg [dreg:$0x3]  }
0x1fe: {  	s0 =	sadd.s32 @!p0 $0x100000, s0  }
0x1ff: {  	[sflag:s0] =	ssyncadd.tile.s32 @!p0 $0x1;
	_ =	shalt  }
.Lfunc_end2:
_tile_overlayer_lowered:
.L_overlay_start_2:
0x200: {  	(tag) =	ssettag $0x2  }
0x201: {  	s0 =	rddreg [dreg:$0x0];
	s2 =	stileid.u32  }
0x202: {  	s1 =	rddreg [dreg:$0x1];
	p0 =	sne.s32 s2, $0x0  }
0x203: {  	s3 =	rddreg [dreg:$0x2];
	[bflag:$0x3] =	sbarrier.arrive $0xFFFF;
	s2 =	simm.s32 @!p0 $0x1C04  }
0x204: {  	[timem:s3], [sflag:s2] =	dma.local @!p0 [hbm:s0], s1  }
0x205: {  	s0 =	simm.s32 @!p0 $0x4  }
0x206: {  	_ =	swait.ge @!p0 [sflag:s0], s1  }
0x207: {  	s1 =	ssub.s32 @!p0 $0x0, s1;
	[sflag:s0] =	ssyncset.done @!p0 $0x0  }
0x208: {  	[sflag:s0] =	ssyncadd.s32 @!p0 s1  }
0x209: {  	[bflag:$0x3] =	sbarrier.arrive $0xFFFF  }
0x20a: {  	_ =	shalt  }

</sc_bundles>
